<compile_context>
chip_gen: v7x
topology: tpu7x:2x2x1
jax: 0.10.2.dev20260603
libtpu: 0.0.44.dev20260713+nightly
codegen_flags: <defaults>
</compile_context>

<pallas_src>
import jax
import jax.numpy as jnp
from jax import lax
from jax.experimental import pallas as pl
from jax.experimental.pallas import tpu as pltpu
from jax.experimental.pallas import tpu_sc as plsc

D = 32
B = 4096
L = 20
N = B * L
NC = 2
NS = 16
LANES = 16
NW = NC * NS
PW = N // NW
CW = B // NW
CHUNK = 128
NCHUNK = PW // CHUNK
NGRP = CHUNK // LANES


def _rsqrt(v):
    i = plsc.bitcast(v, jnp.int32)
    y = plsc.bitcast(jnp.full((LANES,), 0x5F3759DF, jnp.int32) - (i >> 1),
                     jnp.float32)
    for _ in range(3):
        y = y * (1.5 - 0.5 * v * y * y)
    return y


def _body(ctab, xtab, cidx_h, xidx_h, nidx_h, out_h,
          cidx_v, xidx_v, nidx_v, crow_v, xrow_v, nrow_v, acc_v,
          semx, semn):
    wid = lax.axis_index("s") * NC + lax.axis_index("c")

    pltpu.sync_copy(cidx_h.at[pl.ds(wid * CW, CW)], cidx_v)
    pltpu.sync_copy(ctab.at[cidx_v], crow_v)

    lanes = lax.iota(jnp.int32, LANES)

    def chunk_body(j, acc):
        base = wid * PW + j * CHUNK
        pltpu.sync_copy(xidx_h.at[pl.ds(base, CHUNK)], xidx_v)
        pltpu.sync_copy(nidx_h.at[pl.ds(base, CHUNK)], nidx_v)
        cx = pltpu.async_copy(xtab.at[xidx_v], xrow_v, semx)
        cn = pltpu.async_copy(xtab.at[nidx_v], nrow_v, semn)
        cx.wait()
        cn.wait()

        def grp_body(g, acc):
            rvec = g * LANES + lanes
            cvec = (j * CHUNK + rvec) // L
            z = jnp.zeros((LANES,), jnp.float32)
            dx, x2, dn, n2, c2 = z, z, z, z, z
            for d in range(D):
                dspl = jnp.full((LANES,), d, jnp.int32)
                x = plsc.load_gather(xrow_v, [rvec, dspl])
                nn = plsc.load_gather(nrow_v, [rvec, dspl])
                c = plsc.load_gather(crow_v, [cvec, dspl])
                dx = dx + c * x
                x2 = x2 + x * x
                dn = dn + c * nn
                n2 = n2 + nn * nn
                c2 = c2 + c * c
            inv_p = jnp.minimum(_rsqrt(c2 * x2), 1e8)
            inv_n = jnp.minimum(_rsqrt(c2 * n2), 1e8)
            return acc + jnp.maximum(dn * inv_n, 0.0) - dx * inv_p

        return lax.fori_loop(0, NGRP, grp_body, acc)

    acc = lax.fori_loop(0, NCHUNK, chunk_body,
                        jnp.zeros((LANES,), jnp.float32))
    acc_v[...] = acc
    pltpu.sync_copy(acc_v, out_h.at[pl.ds(wid * LANES, LANES)])


def kernel(centers_table, contexts_table, center_idxs, context_idxs, neg_idxs):
    cidx = center_idxs.astype(jnp.int32)
    xidx = context_idxs.reshape(N).astype(jnp.int32)
    nidx = neg_idxs.astype(jnp.int32)

    run = pl.kernel(
        _body,
        out_type=jax.ShapeDtypeStruct((NW * LANES,), jnp.float32),
        mesh=plsc.VectorSubcoreMesh(core_axis_name="c", subcore_axis_name="s"),
        compiler_params=pltpu.CompilerParams(
            use_tc_tiling_on_sc=False, needs_layout_passes=False),
        scratch_types=[
            pltpu.VMEM((CW,), jnp.int32),
            pltpu.VMEM((CHUNK,), jnp.int32),
            pltpu.VMEM((CHUNK,), jnp.int32),
            pltpu.VMEM((CW, D), jnp.float32),
            pltpu.VMEM((CHUNK, D), jnp.float32),
            pltpu.VMEM((CHUNK, D), jnp.float32),
            pltpu.VMEM((LANES,), jnp.float32),
            pltpu.SemaphoreType.DMA,
            pltpu.SemaphoreType.DMA,
        ],
    )
    part = run(centers_table, contexts_table, cidx, xidx, nidx)
    return jnp.float32(1.0) + jnp.sum(part) / jnp.float32(N)

# --- scband reference (transcript-rebuilt; emitter-appended) ---
"""Pipeline reference for scband-custom-word2-vec-70514773066228 (READ-ONLY COPY).

The authoritative reference and input builder live on the scoring server;
editing this copy changes nothing except your own understanding.
"""

import jax, jax.numpy as jnp
import numpy as np

VOCAB = 1000000
DIMS = 32
B = 4096
L = 20


def _cosine(a, b):
    num = jnp.sum(a * b, axis=-1)
    den = jnp.maximum(jnp.linalg.norm(a, axis=-1) * jnp.linalg.norm(b, axis=-1), 1e-8)
    return num / den


def setup_inputs(seed: int = 0) -> dict:
    key = jax.random.key(seed)
    k1, k2, k3, k4, k5 = jax.random.split(key, 5)
    centers_table = jax.random.normal(k1, (VOCAB, DIMS), dtype=jnp.float32)
    contexts_table = jax.random.normal(k2, (VOCAB, DIMS), dtype=jnp.float32)
    center_idxs = jax.random.randint(k3, (B,), 0, VOCAB, dtype=jnp.int64 if jax.config.jax_enable_x64 else jnp.int32)
    context_idxs = jax.random.randint(k4, (B, L), 0, VOCAB, dtype=jnp.int64 if jax.config.jax_enable_x64 else jnp.int32)
    neg_idxs = jax.random.randint(k5, (B * L,), 0, VOCAB, dtype=jnp.int64 if jax.config.jax_enable_x64 else jnp.int32)
    return {
        'centers_table': centers_table,
        'contexts_table': contexts_table,
        'center_idxs': center_idxs,
        'context_idxs': context_idxs,
        'neg_idxs': neg_idxs,
    }


def reference(centers_table, contexts_table, center_idxs, context_idxs, neg_idxs):
    n_contexts = context_idxs.shape[1]
    centers = jnp.take(centers_table, center_idxs, axis=0)            # [B, d]
    centers = jnp.repeat(centers, n_contexts, axis=0)                 # [B*L, d] (repeat_interleave)
    contexts = jnp.take(contexts_table, context_idxs, axis=0)         # [B, L, d]
    contexts = contexts.reshape(-1, contexts.shape[-1])               # [B*L, d] (flatten(0,1))
    # cosine_embedding_loss with target=+1: mean(1 - cos)
    cos_p = _cosine(centers, contexts)
    ploss = jnp.mean(1.0 - cos_p)
    # negatives: gathered rows of contexts table (indices provided deterministically)
    negatives = jnp.take(contexts_table, neg_idxs, axis=0)            # [B*L, d]
    # cosine_embedding_loss with target=-1, margin=0: mean(max(0, cos))
    cos_n = _cosine(centers, negatives)
    nloss = jnp.mean(jnp.maximum(cos_n, 0.0))
    return ploss + nloss

if __name__ == "__main__":
    import jax
    _d = setup_inputs()
    print(jax.jit(kernel)(*tuple(_d.values())))

</pallas_src>

<mosaic_0001>
#map = affine_map<(d0, d1) -> (0, 0)>
#map1 = affine_map<(d0, d1) -> (0)>
module attributes {stable_mosaic.version = 14 : i64} {
  func.func @_body(%arg0: i32, %arg1: i32, %arg2: memref<1000000x32xf32, #tpu.memory_space<hbm>>, %arg3: memref<1000000x32xf32, #tpu.memory_space<hbm>>, %arg4: memref<4096xi32, #tpu.memory_space<hbm>>, %arg5: memref<81920xi32, #tpu.memory_space<hbm>>, %arg6: memref<81920xi32, #tpu.memory_space<hbm>>, %arg7: memref<512xf32, #tpu.memory_space<hbm>>, %arg8: memref<128xi32, #tpu.memory_space<vmem>>, %arg9: memref<128xi32, #tpu.memory_space<vmem>>, %arg10: memref<128xi32, #tpu.memory_space<vmem>>, %arg11: memref<128x32xf32, #tpu.memory_space<vmem>>, %arg12: memref<128x32xf32, #tpu.memory_space<vmem>>, %arg13: memref<128x32xf32, #tpu.memory_space<vmem>>, %arg14: memref<16xf32, #tpu.memory_space<vmem>>, %arg15: memref<!tpu.dma_semaphore, #tpu.memory_space<semaphore_mem>>, %arg16: memref<!tpu.dma_semaphore, #tpu.memory_space<semaphore_mem>>) attributes {dimension_semantics = [#tpu.dimension_semantics<core_parallel>, #tpu.dimension_semantics<subcore_parallel>], iteration_bounds = array<i64: 2, 16>, scalar_prefetch = 0 : i64, scratch_operands = 9 : i64, tpu.core_type = #tpu.core_type<sc_vector_subcore>, window_params = [{transform_indices = #map}, {transform_indices = #map}, {transform_indices = #map1}, {transform_indices = #map1}, {transform_indices = #map1}, {transform_indices = #map1}]} {
    %mul3A = arith.constant 2 : i32
    %mul3A_0 = arith.muli %arg1, %mul3A : i32
    %add3A = arith.addi %mul3A_0, %arg0 : i32
    %mul3A_1 = arith.constant 128 : i32
    %mul3A_2 = arith.muli %add3A, %mul3A_1 : i32
    "tpu.region"() ({
      %run_scoped3A = tpu.sem_alloc : memref<!tpu.dma_semaphore, #tpu.memory_space<semaphore_mem>>
      %dma_start3A = tpu.memref_slice %arg4[%mul3A_2] : memref<4096xi32, #tpu.memory_space<hbm>> -> memref<128xi32, #tpu.memory_space<hbm>>
      %dma_start3A_12 = tpu.memref_slice %arg4[%mul3A_2] : memref<4096xi32, #tpu.memory_space<hbm>> -> memref<128xi32, #tpu.memory_space<hbm>>
      tpu.enqueue_dma source(%dma_start3A_12 : memref<128xi32, #tpu.memory_space<hbm>>) target(%arg8 : memref<128xi32, #tpu.memory_space<vmem>>) target_semaphore(%run_scoped3A : memref<!tpu.dma_semaphore, #tpu.memory_space<semaphore_mem>>)
      %dma_wait3A = tpu.memref_slice %arg4[%mul3A_2] : memref<4096xi32, #tpu.memory_space<hbm>> -> memref<128xi32, #tpu.memory_space<hbm>>
      %dma_wait3A_13 = tpu.memref_slice %arg4[%mul3A_2] : memref<4096xi32, #tpu.memory_space<hbm>> -> memref<128xi32, #tpu.memory_space<hbm>>
      tpu.wait_dma2 semaphore(%run_scoped3A : memref<!tpu.dma_semaphore, #tpu.memory_space<semaphore_mem>>) src(%dma_wait3A_13 : memref<128xi32, #tpu.memory_space<hbm>>) dst(%arg8 : memref<128xi32, #tpu.memory_space<vmem>>)
      tpu.yield
    }) : () -> ()
    "tpu.region"() ({
      %run_scoped3A = tpu.sem_alloc : memref<!tpu.dma_semaphore, #tpu.memory_space<semaphore_mem>>
      %dma_start3A = arith.constant 0 : i32
      %dma_start3A_12 = arith.constant 0 : i32
      %dma_start3A_13 = tpu.memref_slice %arg2[%dma_start3A, %dma_start3A_12] : memref<1000000x32xf32, #tpu.memory_space<hbm>> -> memref<1000000x32xf32, #tpu.memory_space<hbm>>
      tpu.enqueue_indirect_dma source(%dma_start3A_13 : memref<1000000x32xf32, #tpu.memory_space<hbm>>) target(%arg11 : memref<128x32xf32, #tpu.memory_space<vmem>>) offsets(%arg8 : memref<128xi32, #tpu.memory_space<vmem>>) semaphore(%run_scoped3A : memref<!tpu.dma_semaphore, #tpu.memory_space<semaphore_mem>>)
      %dma_wait3A = arith.constant 0 : i32
      %dma_wait3A_14 = arith.constant 0 : i32
      %dma_wait3A_15 = tpu.memref_slice %arg2[%dma_wait3A, %dma_wait3A_14] : memref<1000000x32xf32, #tpu.memory_space<hbm>> -> memref<1000000x32xf32, #tpu.memory_space<hbm>>
      tpu.wait_indirect_dma semaphore(%run_scoped3A : memref<!tpu.dma_semaphore, #tpu.memory_space<semaphore_mem>>) src(%dma_wait3A_15 : memref<1000000x32xf32, #tpu.memory_space<hbm>>) dst(%arg11 : memref<128x32xf32, #tpu.memory_space<vmem>>)
      tpu.yield
    }) : () -> ()
    %iota3A = tpu.iota {dimensions = array<i32: 0>} : vector<16xi32>
    %broadcast_in_dim3A = arith.constant 0.000000e+00 : f32
    %broadcast_in_dim3A_3 = vector.broadcast %broadcast_in_dim3A : f32 to vector<16xf32>
    %scan3A = arith.constant 0 : i32
    %scan3A_4 = arith.constant 20 : i32
    %scan3A_5 = arith.addi %scan3A, %scan3A_4 : i32
    %scan3A_6 = arith.constant 1 : i32
    %scan3A_7 = scf.for %scan3A_12 = %scan3A to %scan3A_5 step %scan3A_6 iter_args(%scan3A_13 = %broadcast_in_dim3A_3) -> (vector<16xf32>)  : i32 {
      %mul3A_14 = arith.constant 2560 : i32
      %mul3A_15 = arith.muli %add3A, %mul3A_14 : i32
      %mul3A_16 = arith.constant 128 : i32
      %mul3A_17 = arith.muli %scan3A_12, %mul3A_16 : i32
      %add3A_18 = arith.addi %mul3A_15, %mul3A_17 : i32
      "tpu.region"() ({
        %run_scoped3A = tpu.sem_alloc : memref<!tpu.dma_semaphore, #tpu.memory_space<semaphore_mem>>
        %dma_start3A_35 = tpu.memref_slice %arg5[%add3A_18] : memref<81920xi32, #tpu.memory_space<hbm>> -> memref<128xi32, #tpu.memory_space<hbm>>
        %dma_start3A_36 = tpu.memref_slice %arg5[%add3A_18] : memref<81920xi32, #tpu.memory_space<hbm>> -> memref<128xi32, #tpu.memory_space<hbm>>
        tpu.enqueue_dma source(%dma_start3A_36 : memref<128xi32, #tpu.memory_space<hbm>>) target(%arg9 : memref<128xi32, #tpu.memory_space<vmem>>) target_semaphore(%run_scoped3A : memref<!tpu.dma_semaphore, #tpu.memory_space<semaphore_mem>>)
        %dma_wait3A_37 = tpu.memref_slice %arg5[%add3A_18] : memref<81920xi32, #tpu.memory_space<hbm>> -> memref<128xi32, #tpu.memory_space<hbm>>
        %dma_wait3A_38 = tpu.memref_slice %arg5[%add3A_18] : memref<81920xi32, #tpu.memory_space<hbm>> -> memref<128xi32, #tpu.memory_space<hbm>>
        tpu.wait_dma2 semaphore(%run_scoped3A : memref<!tpu.dma_semaphore, #tpu.memory_space<semaphore_mem>>) src(%dma_wait3A_38 : memref<128xi32, #tpu.memory_space<hbm>>) dst(%arg9 : memref<128xi32, #tpu.memory_space<vmem>>)
        tpu.yield
      }) : () -> ()
      "tpu.region"() ({
        %run_scoped3A = tpu.sem_alloc : memref<!tpu.dma_semaphore, #tpu.memory_space<semaphore_mem>>
        %dma_start3A_35 = tpu.memref_slice %arg6[%add3A_18] : memref<81920xi32, #tpu.memory_space<hbm>> -> memref<128xi32, #tpu.memory_space<hbm>>
        %dma_start3A_36 = tpu.memref_slice %arg6[%add3A_18] : memref<81920xi32, #tpu.memory_space<hbm>> -> memref<128xi32, #tpu.memory_space<hbm>>
        tpu.enqueue_dma source(%dma_start3A_36 : memref<128xi32, #tpu.memory_space<hbm>>) target(%arg10 : memref<128xi32, #tpu.memory_space<vmem>>) target_semaphore(%run_scoped3A : memref<!tpu.dma_semaphore, #tpu.memory_space<semaphore_mem>>)
        %dma_wait3A_37 = tpu.memref_slice %arg6[%add3A_18] : memref<81920xi32, #tpu.memory_space<hbm>> -> memref<128xi32, #tpu.memory_space<hbm>>
        %dma_wait3A_38 = tpu.memref_slice %arg6[%add3A_18] : memref<81920xi32, #tpu.memory_space<hbm>> -> memref<128xi32, #tpu.memory_space<hbm>>
        tpu.wait_dma2 semaphore(%run_scoped3A : memref<!tpu.dma_semaphore, #tpu.memory_space<semaphore_mem>>) src(%dma_wait3A_38 : memref<128xi32, #tpu.memory_space<hbm>>) dst(%arg10 : memref<128xi32, #tpu.memory_space<vmem>>)
        tpu.yield
      }) : () -> ()
      %dma_start3A = arith.constant 0 : i32
      %dma_start3A_19 = arith.constant 0 : i32
      %dma_start3A_20 = tpu.memref_slice %arg3[%dma_start3A, %dma_start3A_19] : memref<1000000x32xf32, #tpu.memory_space<hbm>> -> memref<1000000x32xf32, #tpu.memory_space<hbm>>
      tpu.enqueue_indirect_dma source(%dma_start3A_20 : memref<1000000x32xf32, #tpu.memory_space<hbm>>) target(%arg12 : memref<128x32xf32, #tpu.memory_space<vmem>>) offsets(%arg9 : memref<128xi32, #tpu.memory_space<vmem>>) semaphore(%arg15 : memref<!tpu.dma_semaphore, #tpu.memory_space<semaphore_mem>>)
      %dma_start3A_21 = arith.constant 0 : i32
      %dma_start3A_22 = arith.constant 0 : i32
      %dma_start3A_23 = tpu.memref_slice %arg3[%dma_start3A_21, %dma_start3A_22] : memref<1000000x32xf32, #tpu.memory_space<hbm>> -> memref<1000000x32xf32, #tpu.memory_space<hbm>>
      tpu.enqueue_indirect_dma source(%dma_start3A_23 : memref<1000000x32xf32, #tpu.memory_space<hbm>>) target(%arg13 : memref<128x32xf32, #tpu.memory_space<vmem>>) offsets(%arg10 : memref<128xi32, #tpu.memory_space<vmem>>) semaphore(%arg16 : memref<!tpu.dma_semaphore, #tpu.memory_space<semaphore_mem>>)
      %dma_wait3A = arith.constant 0 : i32
      %dma_wait3A_24 = arith.constant 0 : i32
      %dma_wait3A_25 = tpu.memref_slice %arg3[%dma_wait3A, %dma_wait3A_24] : memref<1000000x32xf32, #tpu.memory_space<hbm>> -> memref<1000000x32xf32, #tpu.memory_space<hbm>>
      tpu.wait_indirect_dma semaphore(%arg15 : memref<!tpu.dma_semaphore, #tpu.memory_space<semaphore_mem>>) src(%dma_wait3A_25 : memref<1000000x32xf32, #tpu.memory_space<hbm>>) dst(%arg12 : memref<128x32xf32, #tpu.memory_space<vmem>>)
      %dma_wait3A_26 = arith.constant 0 : i32
      %dma_wait3A_27 = arith.constant 0 : i32
      %dma_wait3A_28 = tpu.memref_slice %arg3[%dma_wait3A_26, %dma_wait3A_27] : memref<1000000x32xf32, #tpu.memory_space<hbm>> -> memref<1000000x32xf32, #tpu.memory_space<hbm>>
      tpu.wait_indirect_dma semaphore(%arg16 : memref<!tpu.dma_semaphore, #tpu.memory_space<semaphore_mem>>) src(%dma_wait3A_28 : memref<1000000x32xf32, #tpu.memory_space<hbm>>) dst(%arg13 : memref<128x32xf32, #tpu.memory_space<vmem>>)
      %scan3A_29 = arith.constant 0 : i32
      %scan3A_30 = arith.constant 8 : i32
      %scan3A_31 = arith.addi %scan3A_29, %scan3A_30 : i32
      %scan3A_32 = arith.constant 1 : i32
      %scan3A_33 = scf.for %scan3A_35 = %scan3A_29 to %scan3A_31 step %scan3A_32 iter_args(%scan3A_36 = %scan3A_13) -> (vector<16xf32>)  : i32 {
        %mul3A_37 = arith.constant 16 : i32
        %mul3A_38 = arith.muli %scan3A_35, %mul3A_37 : i32
        %add3A_39 = vector.broadcast %mul3A_38 : i32 to vector<16xi32>
        %add3A_40 = arith.addi %add3A_39, %iota3A : vector<16xi32>
        %mul3A_41 = arith.constant 128 : i32
        %mul3A_42 = arith.muli %scan3A_12, %mul3A_41 : i32
        %add3A_43 = vector.broadcast %mul3A_42 : i32 to vector<16xi32>
        %add3A_44 = arith.addi %add3A_43, %add3A_40 : vector<16xi32>
        %jit3A = arith.constant 20 : i32
        %div3A = vector.broadcast %jit3A : i32 to vector<16xi32>
        %div3A_45 = arith.divsi %add3A_44, %div3A : vector<16xi32>
        %sign3A = arith.constant 0 : i32
        %sign3A_46 = vector.broadcast %sign3A : i32 to vector<16xi32>
        %sign3A_47 = arith.cmpi sgt, %add3A_44, %sign3A_46 : vector<16xi32>
        %sign3A_48 = arith.extui %sign3A_47 : vector<16xi1> to vector<16xi32>
        %sign3A_49 = arith.constant 0 : i32
        %sign3A_50 = vector.broadcast %sign3A_49 : i32 to vector<16xi32>
        %sign3A_51 = arith.cmpi slt, %add3A_44, %sign3A_50 : vector<16xi32>
        %sign3A_52 = arith.extui %sign3A_51 : vector<16xi1> to vector<16xi32>
        %sign3A_53 = arith.subi %sign3A_48, %sign3A_52 : vector<16xi32>
        %sign3A_54 = arith.constant 0 : i32
        %sign3A_55 = arith.cmpi sgt, %jit3A, %sign3A_54 : i32
        %sign3A_56 = arith.extui %sign3A_55 : i1 to i32
        %sign3A_57 = arith.constant 0 : i32
        %sign3A_58 = arith.cmpi slt, %jit3A, %sign3A_57 : i32
        %sign3A_59 = arith.extui %sign3A_58 : i1 to i32
        %sign3A_60 = arith.subi %sign3A_56, %sign3A_59 : i32
        %ne3A = vector.broadcast %sign3A_60 : i32 to vector<16xi32>
        %ne3A_61 = arith.cmpi ne, %sign3A_53, %ne3A : vector<16xi32>
        %rem3A = vector.broadcast %jit3A : i32 to vector<16xi32>
        %rem3A_62 = arith.remsi %add3A_44, %rem3A : vector<16xi32>
        %ne3A_63 = arith.constant 0 : i32
        %ne3A_64 = vector.broadcast %ne3A_63 : i32 to vector<16xi32>
        %ne3A_65 = arith.cmpi ne, %rem3A_62, %ne3A_64 : vector<16xi32>
        %and3A = arith.andi %ne3A_61, %ne3A_65 : vector<16xi1>
        %sub3A = arith.constant 1 : i32
        %sub3A_66 = vector.broadcast %sub3A : i32 to vector<16xi32>
        %sub3A_67 = arith.subi %div3A_45, %sub3A_66 : vector<16xi32>
        %select_n3A = arith.select %and3A, %sub3A_67, %div3A_45 : vector<16xi1>, vector<16xi32>
        %broadcast_in_dim3A_68 = arith.constant 0.000000e+00 : f32
        %broadcast_in_dim3A_69 = vector.broadcast %broadcast_in_dim3A_68 : f32 to vector<16xf32>
        %broadcast_in_dim3A_70 = arith.constant 0 : i32
        %broadcast_in_dim3A_71 = vector.broadcast %broadcast_in_dim3A_70 : i32 to vector<16xi32>
        %gather3A = tpu.vector_load_idx %arg12[%add3A_40, %broadcast_in_dim3A_71] : memref<128x32xf32, #tpu.memory_space<vmem>>[vector<16xi32>, vector<16xi32>], vector<16xf32>,
        %gather3A_72 = tpu.vector_load_idx %arg13[%add3A_40, %broadcast_in_dim3A_71] : memref<128x32xf32, #tpu.memory_space<vmem>>[vector<16xi32>, vector<16xi32>], vector<16xf32>,
        %gather3A_73 = tpu.vector_load_idx %arg11[%select_n3A, %broadcast_in_dim3A_71] : memref<128x32xf32, #tpu.memory_space<vmem>>[vector<16xi32>, vector<16xi32>], vector<16xf32>,
        %mul3A_74 = arith.mulf %gather3A_73, %gather3A : vector<16xf32>
        %add3A_75 = arith.addf %broadcast_in_dim3A_69, %mul3A_74 : vector<16xf32>
        %mul3A_76 = arith.mulf %gather3A, %gather3A : vector<16xf32>
        %add3A_77 = arith.addf %broadcast_in_dim3A_69, %mul3A_76 : vector<16xf32>
        %mul3A_78 = arith.mulf %gather3A_73, %gather3A_72 : vector<16xf32>
        %add3A_79 = arith.addf %broadcast_in_dim3A_69, %mul3A_78 : vector<16xf32>
        %mul3A_80 = arith.mulf %gather3A_72, %gather3A_72 : vector<16xf32>
        %add3A_81 = arith.addf %broadcast_in_dim3A_69, %mul3A_80 : vector<16xf32>
        %mul3A_82 = arith.mulf %gather3A_73, %gather3A_73 : vector<16xf32>
        %add3A_83 = arith.addf %broadcast_in_dim3A_69, %mul3A_82 : vector<16xf32>
        %broadcast_in_dim3A_84 = arith.constant 1 : i32
        %broadcast_in_dim3A_85 = vector.broadcast %broadcast_in_dim3A_84 : i32 to vector<16xi32>
        %gather3A_86 = tpu.vector_load_idx %arg12[%add3A_40, %broadcast_in_dim3A_85] : memref<128x32xf32, #tpu.memory_space<vmem>>[vector<16xi32>, vector<16xi32>], vector<16xf32>,
        %gather3A_87 = tpu.vector_load_idx %arg13[%add3A_40, %broadcast_in_dim3A_85] : memref<128x32xf32, #tpu.memory_space<vmem>>[vector<16xi32>, vector<16xi32>], vector<16xf32>,
        %gather3A_88 = tpu.vector_load_idx %arg11[%select_n3A, %broadcast_in_dim3A_85] : memref<128x32xf32, #tpu.memory_space<vmem>>[vector<16xi32>, vector<16xi32>], vector<16xf32>,
        %mul3A_89 = arith.mulf %gather3A_88, %gather3A_86 : vector<16xf32>
        %add3A_90 = arith.addf %add3A_75, %mul3A_89 : vector<16xf32>
        %mul3A_91 = arith.mulf %gather3A_86, %gather3A_86 : vector<16xf32>
        %add3A_92 = arith.addf %add3A_77, %mul3A_91 : vector<16xf32>
        %mul3A_93 = arith.mulf %gather3A_88, %gather3A_87 : vector<16xf32>
        %add3A_94 = arith.addf %add3A_79, %mul3A_93 : vector<16xf32>
        %mul3A_95 = arith.mulf %gather3A_87, %gather3A_87 : vector<16xf32>
        %add3A_96 = arith.addf %add3A_81, %mul3A_95 : vector<16xf32>
        %mul3A_97 = arith.mulf %gather3A_88, %gather3A_88 : vector<16xf32>
        %add3A_98 = arith.addf %add3A_83, %mul3A_97 : vector<16xf32>
        %broadcast_in_dim3A_99 = arith.constant 2 : i32
        %broadcast_in_dim3A_100 = vector.broadcast %broadcast_in_dim3A_99 : i32 to vector<16xi32>
        %gather3A_101 = tpu.vector_load_idx %arg12[%add3A_40, %broadcast_in_dim3A_100] : memref<128x32xf32, #tpu.memory_space<vmem>>[vector<16xi32>, vector<16xi32>], vector<16xf32>,
        %gather3A_102 = tpu.vector_load_idx %arg13[%add3A_40, %broadcast_in_dim3A_100] : memref<128x32xf32, #tpu.memory_space<vmem>>[vector<16xi32>, vector<16xi32>], vector<16xf32>,
        %gather3A_103 = tpu.vector_load_idx %arg11[%select_n3A, %broadcast_in_dim3A_100] : memref<128x32xf32, #tpu.memory_space<vmem>>[vector<16xi32>, vector<16xi32>], vector<16xf32>,
        %mul3A_104 = arith.mulf %gather3A_103, %gather3A_101 : vector<16xf32>
        %add3A_105 = arith.addf %add3A_90, %mul3A_104 : vector<16xf32>
        %mul3A_106 = arith.mulf %gather3A_101, %gather3A_101 : vector<16xf32>
        %add3A_107 = arith.addf %add3A_92, %mul3A_106 : vector<16xf32>
        %mul3A_108 = arith.mulf %gather3A_103, %gather3A_102 : vector<16xf32>
        %add3A_109 = arith.addf %add3A_94, %mul3A_108 : vector<16xf32>
        %mul3A_110 = arith.mulf %gather3A_102, %gather3A_102 : vector<16xf32>
        %add3A_111 = arith.addf %add3A_96, %mul3A_110 : vector<16xf32>
        %mul3A_112 = arith.mulf %gather3A_103, %gather3A_103 : vector<16xf32>
        %add3A_113 = arith.addf %add3A_98, %mul3A_112 : vector<16xf32>
        %broadcast_in_dim3A_114 = arith.constant 3 : i32
        %broadcast_in_dim3A_115 = vector.broadcast %broadcast_in_dim3A_114 : i32 to vector<16xi32>
        %gather3A_116 = tpu.vector_load_idx %arg12[%add3A_40, %broadcast_in_dim3A_115] : memref<128x32xf32, #tpu.memory_space<vmem>>[vector<16xi32>, vector<16xi32>], vector<16xf32>,
        %gather3A_117 = tpu.vector_load_idx %arg13[%add3A_40, %broadcast_in_dim3A_115] : memref<128x32xf32, #tpu.memory_space<vmem>>[vector<16xi32>, vector<16xi32>], vector<16xf32>,
        %gather3A_118 = tpu.vector_load_idx %arg11[%select_n3A, %broadcast_in_dim3A_115] : memref<128x32xf32, #tpu.memory_space<vmem>>[vector<16xi32>, vector<16xi32>], vector<16xf32>,
        %mul3A_119 = arith.mulf %gather3A_118, %gather3A_116 : vector<16xf32>
        %add3A_120 = arith.addf %add3A_105, %mul3A_119 : vector<16xf32>
        %mul3A_121 = arith.mulf %gather3A_116, %gather3A_116 : vector<16xf32>
        %add3A_122 = arith.addf %add3A_107, %mul3A_121 : vector<16xf32>
        %mul3A_123 = arith.mulf %gather3A_118, %gather3A_117 : vector<16xf32>
        %add3A_124 = arith.addf %add3A_109, %mul3A_123 : vector<16xf32>
        %mul3A_125 = arith.mulf %gather3A_117, %gather3A_117 : vector<16xf32>
        %add3A_126 = arith.addf %add3A_111, %mul3A_125 : vector<16xf32>
        %mul3A_127 = arith.mulf %gather3A_118, %gather3A_118 : vector<16xf32>
        %add3A_128 = arith.addf %add3A_113, %mul3A_127 : vector<16xf32>
        %broadcast_in_dim3A_129 = arith.constant 4 : i32
        %broadcast_in_dim3A_130 = vector.broadcast %broadcast_in_dim3A_129 : i32 to vector<16xi32>
        %gather3A_131 = tpu.vector_load_idx %arg12[%add3A_40, %broadcast_in_dim3A_130] : memref<128x32xf32, #tpu.memory_space<vmem>>[vector<16xi32>, vector<16xi32>], vector<16xf32>,
        %gather3A_132 = tpu.vector_load_idx %arg13[%add3A_40, %broadcast_in_dim3A_130] : memref<128x32xf32, #tpu.memory_space<vmem>>[vector<16xi32>, vector<16xi32>], vector<16xf32>,
        %gather3A_133 = tpu.vector_load_idx %arg11[%select_n3A, %broadcast_in_dim3A_130] : memref<128x32xf32, #tpu.memory_space<vmem>>[vector<16xi32>, vector<16xi32>], vector<16xf32>,
        %mul3A_134 = arith.mulf %gather3A_133, %gather3A_131 : vector<16xf32>
        %add3A_135 = arith.addf %add3A_120, %mul3A_134 : vector<16xf32>
        %mul3A_136 = arith.mulf %gather3A_131, %gather3A_131 : vector<16xf32>
        %add3A_137 = arith.addf %add3A_122, %mul3A_136 : vector<16xf32>
        %mul3A_138 = arith.mulf %gather3A_133, %gather3A_132 : vector<16xf32>
        %add3A_139 = arith.addf %add3A_124, %mul3A_138 : vector<16xf32>
        %mul3A_140 = arith.mulf %gather3A_132, %gather3A_132 : vector<16xf32>
        %add3A_141 = arith.addf %add3A_126, %mul3A_140 : vector<16xf32>
        %mul3A_142 = arith.mulf %gather3A_133, %gather3A_133 : vector<16xf32>
        %add3A_143 = arith.addf %add3A_128, %mul3A_142 : vector<16xf32>
        %broadcast_in_dim3A_144 = arith.constant 5 : i32
        %broadcast_in_dim3A_145 = vector.broadcast %broadcast_in_dim3A_144 : i32 to vector<16xi32>
        %gather3A_146 = tpu.vector_load_idx %arg12[%add3A_40, %broadcast_in_dim3A_145] : memref<128x32xf32, #tpu.memory_space<vmem>>[vector<16xi32>, vector<16xi32>], vector<16xf32>,
        %gather3A_147 = tpu.vector_load_idx %arg13[%add3A_40, %broadcast_in_dim3A_145] : memref<128x32xf32, #tpu.memory_space<vmem>>[vector<16xi32>, vector<16xi32>], vector<16xf32>,
        %gather3A_148 = tpu.vector_load_idx %arg11[%select_n3A, %broadcast_in_dim3A_145] : memref<128x32xf32, #tpu.memory_space<vmem>>[vector<16xi32>, vector<16xi32>], vector<16xf32>,
        %mul3A_149 = arith.mulf %gather3A_148, %gather3A_146 : vector<16xf32>
        %add3A_150 = arith.addf %add3A_135, %mul3A_149 : vector<16xf32>
        %mul3A_151 = arith.mulf %gather3A_146, %gather3A_146 : vector<16xf32>
        %add3A_152 = arith.addf %add3A_137, %mul3A_151 : vector<16xf32>
        %mul3A_153 = arith.mulf %gather3A_148, %gather3A_147 : vector<16xf32>
        %add3A_154 = arith.addf %add3A_139, %mul3A_153 : vector<16xf32>
        %mul3A_155 = arith.mulf %gather3A_147, %gather3A_147 : vector<16xf32>
        %add3A_156 = arith.addf %add3A_141, %mul3A_155 : vector<16xf32>
        %mul3A_157 = arith.mulf %gather3A_148, %gather3A_148 : vector<16xf32>
        %add3A_158 = arith.addf %add3A_143, %mul3A_157 : vector<16xf32>
        %broadcast_in_dim3A_159 = arith.constant 6 : i32
        %broadcast_in_dim3A_160 = vector.broadcast %broadcast_in_dim3A_159 : i32 to vector<16xi32>
        %gather3A_161 = tpu.vector_load_idx %arg12[%add3A_40, %broadcast_in_dim3A_160] : memref<128x32xf32, #tpu.memory_space<vmem>>[vector<16xi32>, vector<16xi32>], vector<16xf32>,
        %gather3A_162 = tpu.vector_load_idx %arg13[%add3A_40, %broadcast_in_dim3A_160] : memref<128x32xf32, #tpu.memory_space<vmem>>[vector<16xi32>, vector<16xi32>], vector<16xf32>,
        %gather3A_163 = tpu.vector_load_idx %arg11[%select_n3A, %broadcast_in_dim3A_160] : memref<128x32xf32, #tpu.memory_space<vmem>>[vector<16xi32>, vector<16xi32>], vector<16xf32>,
        %mul3A_164 = arith.mulf %gather3A_163, %gather3A_161 : vector<16xf32>
        %add3A_165 = arith.addf %add3A_150, %mul3A_164 : vector<16xf32>
        %mul3A_166 = arith.mulf %gather3A_161, %gather3A_161 : vector<16xf32>
        %add3A_167 = arith.addf %add3A_152, %mul3A_166 : vector<16xf32>
        %mul3A_168 = arith.mulf %gather3A_163, %gather3A_162 : vector<16xf32>
        %add3A_169 = arith.addf %add3A_154, %mul3A_168 : vector<16xf32>
        %mul3A_170 = arith.mulf %gather3A_162, %gather3A_162 : vector<16xf32>
        %add3A_171 = arith.addf %add3A_156, %mul3A_170 : vector<16xf32>
        %mul3A_172 = arith.mulf %gather3A_163, %gather3A_163 : vector<16xf32>
        %add3A_173 = arith.addf %add3A_158, %mul3A_172 : vector<16xf32>
        %broadcast_in_dim3A_174 = arith.constant 7 : i32
        %broadcast_in_dim3A_175 = vector.broadcast %broadcast_in_dim3A_174 : i32 to vector<16xi32>
        %gather3A_176 = tpu.vector_load_idx %arg12[%add3A_40, %broadcast_in_dim3A_175] : memref<128x32xf32, #tpu.memory_space<vmem>>[vector<16xi32>, vector<16xi32>], vector<16xf32>,
        %gather3A_177 = tpu.vector_load_idx %arg13[%add3A_40, %broadcast_in_dim3A_175] : memref<128x32xf32, #tpu.memory_space<vmem>>[vector<16xi32>, vector<16xi32>], vector<16xf32>,
        %gather3A_178 = tpu.vector_load_idx %arg11[%select_n3A, %broadcast_in_dim3A_175] : memref<128x32xf32, #tpu.memory_space<vmem>>[vector<16xi32>, vector<16xi32>], vector<16xf32>,
        %mul3A_179 = arith.mulf %gather3A_178, %gather3A_176 : vector<16xf32>
        %add3A_180 = arith.addf %add3A_165, %mul3A_179 : vector<16xf32>
        %mul3A_181 = arith.mulf %gather3A_176, %gather3A_176 : vector<16xf32>
        %add3A_182 = arith.addf %add3A_167, %mul3A_181 : vector<16xf32>
        %mul3A_183 = arith.mulf %gather3A_178, %gather3A_177 : vector<16xf32>
        %add3A_184 = arith.addf %add3A_169, %mul3A_183 : vector<16xf32>
        %mul3A_185 = arith.mulf %gather3A_177, %gather3A_177 : vector<16xf32>
        %add3A_186 = arith.addf %add3A_171, %mul3A_185 : vector<16xf32>
        %mul3A_187 = arith.mulf %gather3A_178, %gather3A_178 : vector<16xf32>
        %add3A_188 = arith.addf %add3A_173, %mul3A_187 : vector<16xf32>
        %broadcast_in_dim3A_189 = arith.constant 8 : i32
        %broadcast_in_dim3A_190 = vector.broadcast %broadcast_in_dim3A_189 : i32 to vector<16xi32>
        %gather3A_191 = tpu.vector_load_idx %arg12[%add3A_40, %broadcast_in_dim3A_190] : memref<128x32xf32, #tpu.memory_space<vmem>>[vector<16xi32>, vector<16xi32>], vector<16xf32>,
        %gather3A_192 = tpu.vector_load_idx %arg13[%add3A_40, %broadcast_in_dim3A_190] : memref<128x32xf32, #tpu.memory_space<vmem>>[vector<16xi32>, vector<16xi32>], vector<16xf32>,
        %gather3A_193 = tpu.vector_load_idx %arg11[%select_n3A, %broadcast_in_dim3A_190] : memref<128x32xf32, #tpu.memory_space<vmem>>[vector<16xi32>, vector<16xi32>], vector<16xf32>,
        %mul3A_194 = arith.mulf %gather3A_193, %gather3A_191 : vector<16xf32>
        %add3A_195 = arith.addf %add3A_180, %mul3A_194 : vector<16xf32>
        %mul3A_196 = arith.mulf %gather3A_191, %gather3A_191 : vector<16xf32>
        %add3A_197 = arith.addf %add3A_182, %mul3A_196 : vector<16xf32>
        %mul3A_198 = arith.mulf %gather3A_193, %gather3A_192 : vector<16xf32>
        %add3A_199 = arith.addf %add3A_184, %mul3A_198 : vector<16xf32>
        %mul3A_200 = arith.mulf %gather3A_192, %gather3A_192 : vector<16xf32>
        %add3A_201 = arith.addf %add3A_186, %mul3A_200 : vector<16xf32>
        %mul3A_202 = arith.mulf %gather3A_193, %gather3A_193 : vector<16xf32>
        %add3A_203 = arith.addf %add3A_188, %mul3A_202 : vector<16xf32>
        %broadcast_in_dim3A_204 = arith.constant 9 : i32
        %broadcast_in_dim3A_205 = vector.broadcast %broadcast_in_dim3A_204 : i32 to vector<16xi32>
        %gather3A_206 = tpu.vector_load_idx %arg12[%add3A_40, %broadcast_in_dim3A_205] : memref<128x32xf32, #tpu.memory_space<vmem>>[vector<16xi32>, vector<16xi32>], vector<16xf32>,
        %gather3A_207 = tpu.vector_load_idx %arg13[%add3A_40, %broadcast_in_dim3A_205] : memref<128x32xf32, #tpu.memory_space<vmem>>[vector<16xi32>, vector<16xi32>], vector<16xf32>,
        %gather3A_208 = tpu.vector_load_idx %arg11[%select_n3A, %broadcast_in_dim3A_205] : memref<128x32xf32, #tpu.memory_space<vmem>>[vector<16xi32>, vector<16xi32>], vector<16xf32>,
        %mul3A_209 = arith.mulf %gather3A_208, %gather3A_206 : vector<16xf32>
        %add3A_210 = arith.addf %add3A_195, %mul3A_209 : vector<16xf32>
        %mul3A_211 = arith.mulf %gather3A_206, %gather3A_206 : vector<16xf32>
        %add3A_212 = arith.addf %add3A_197, %mul3A_211 : vector<16xf32>
        %mul3A_213 = arith.mulf %gather3A_208, %gather3A_207 : vector<16xf32>
        %add3A_214 = arith.addf %add3A_199, %mul3A_213 : vector<16xf32>
        %mul3A_215 = arith.mulf %gather3A_207, %gather3A_207 : vector<16xf32>
        %add3A_216 = arith.addf %add3A_201, %mul3A_215 : vector<16xf32>
        %mul3A_217 = arith.mulf %gather3A_208, %gather3A_208 : vector<16xf32>
        %add3A_218 = arith.addf %add3A_203, %mul3A_217 : vector<16xf32>
        %broadcast_in_dim3A_219 = arith.constant 10 : i32
        %broadcast_in_dim3A_220 = vector.broadcast %broadcast_in_dim3A_219 : i32 to vector<16xi32>
        %gather3A_221 = tpu.vector_load_idx %arg12[%add3A_40, %broadcast_in_dim3A_220] : memref<128x32xf32, #tpu.memory_space<vmem>>[vector<16xi32>, vector<16xi32>], vector<16xf32>,
        %gather3A_222 = tpu.vector_load_idx %arg13[%add3A_40, %broadcast_in_dim3A_220] : memref<128x32xf32, #tpu.memory_space<vmem>>[vector<16xi32>, vector<16xi32>], vector<16xf32>,
        %gather3A_223 = tpu.vector_load_idx %arg11[%select_n3A, %broadcast_in_dim3A_220] : memref<128x32xf32, #tpu.memory_space<vmem>>[vector<16xi32>, vector<16xi32>], vector<16xf32>,
        %mul3A_224 = arith.mulf %gather3A_223, %gather3A_221 : vector<16xf32>
        %add3A_225 = arith.addf %add3A_210, %mul3A_224 : vector<16xf32>
        %mul3A_226 = arith.mulf %gather3A_221, %gather3A_221 : vector<16xf32>
        %add3A_227 = arith.addf %add3A_212, %mul3A_226 : vector<16xf32>
        %mul3A_228 = arith.mulf %gather3A_223, %gather3A_222 : vector<16xf32>
        %add3A_229 = arith.addf %add3A_214, %mul3A_228 : vector<16xf32>
        %mul3A_230 = arith.mulf %gather3A_222, %gather3A_222 : vector<16xf32>
        %add3A_231 = arith.addf %add3A_216, %mul3A_230 : vector<16xf32>
        %mul3A_232 = arith.mulf %gather3A_223, %gather3A_223 : vector<16xf32>
        %add3A_233 = arith.addf %add3A_218, %mul3A_232 : vector<16xf32>
        %broadcast_in_dim3A_234 = arith.constant 11 : i32
        %broadcast_in_dim3A_235 = vector.broadcast %broadcast_in_dim3A_234 : i32 to vector<16xi32>
        %gather3A_236 = tpu.vector_load_idx %arg12[%add3A_40, %broadcast_in_dim3A_235] : memref<128x32xf32, #tpu.memory_space<vmem>>[vector<16xi32>, vector<16xi32>], vector<16xf32>,
        %gather3A_237 = tpu.vector_load_idx %arg13[%add3A_40, %broadcast_in_dim3A_235] : memref<128x32xf32, #tpu.memory_space<vmem>>[vector<16xi32>, vector<16xi32>], vector<16xf32>,
        %gather3A_238 = tpu.vector_load_idx %arg11[%select_n3A, %broadcast_in_dim3A_235] : memref<128x32xf32, #tpu.memory_space<vmem>>[vector<16xi32>, vector<16xi32>], vector<16xf32>,
        %mul3A_239 = arith.mulf %gather3A_238, %gather3A_236 : vector<16xf32>
        %add3A_240 = arith.addf %add3A_225, %mul3A_239 : vector<16xf32>
        %mul3A_241 = arith.mulf %gather3A_236, %gather3A_236 : vector<16xf32>
        %add3A_242 = arith.addf %add3A_227, %mul3A_241 : vector<16xf32>
        %mul3A_243 = arith.mulf %gather3A_238, %gather3A_237 : vector<16xf32>
        %add3A_244 = arith.addf %add3A_229, %mul3A_243 : vector<16xf32>
        %mul3A_245 = arith.mulf %gather3A_237, %gather3A_237 : vector<16xf32>
        %add3A_246 = arith.addf %add3A_231, %mul3A_245 : vector<16xf32>
        %mul3A_247 = arith.mulf %gather3A_238, %gather3A_238 : vector<16xf32>
        %add3A_248 = arith.addf %add3A_233, %mul3A_247 : vector<16xf32>
        %broadcast_in_dim3A_249 = arith.constant 12 : i32
        %broadcast_in_dim3A_250 = vector.broadcast %broadcast_in_dim3A_249 : i32 to vector<16xi32>
        %gather3A_251 = tpu.vector_load_idx %arg12[%add3A_40, %broadcast_in_dim3A_250] : memref<128x32xf32, #tpu.memory_space<vmem>>[vector<16xi32>, vector<16xi32>], vector<16xf32>,
        %gather3A_252 = tpu.vector_load_idx %arg13[%add3A_40, %broadcast_in_dim3A_250] : memref<128x32xf32, #tpu.memory_space<vmem>>[vector<16xi32>, vector<16xi32>], vector<16xf32>,
        %gather3A_253 = tpu.vector_load_idx %arg11[%select_n3A, %broadcast_in_dim3A_250] : memref<128x32xf32, #tpu.memory_space<vmem>>[vector<16xi32>, vector<16xi32>], vector<16xf32>,
        %mul3A_254 = arith.mulf %gather3A_253, %gather3A_251 : vector<16xf32>
        %add3A_255 = arith.addf %add3A_240, %mul3A_254 : vector<16xf32>
        %mul3A_256 = arith.mulf %gather3A_251, %gather3A_251 : vector<16xf32>
        %add3A_257 = arith.addf %add3A_242, %mul3A_256 : vector<16xf32>
        %mul3A_258 = arith.mulf %gather3A_253, %gather3A_252 : vector<16xf32>
        %add3A_259 = arith.addf %add3A_244, %mul3A_258 : vector<16xf32>
        %mul3A_260 = arith.mulf %gather3A_252, %gather3A_252 : vector<16xf32>
        %add3A_261 = arith.addf %add3A_246, %mul3A_260 : vector<16xf32>
        %mul3A_262 = arith.mulf %gather3A_253, %gather3A_253 : vector<16xf32>
        %add3A_263 = arith.addf %add3A_248, %mul3A_262 : vector<16xf32>
        %broadcast_in_dim3A_264 = arith.constant 13 : i32
        %broadcast_in_dim3A_265 = vector.broadcast %broadcast_in_dim3A_264 : i32 to vector<16xi32>
        %gather3A_266 = tpu.vector_load_idx %arg12[%add3A_40, %broadcast_in_dim3A_265] : memref<128x32xf32, #tpu.memory_space<vmem>>[vector<16xi32>, vector<16xi32>], vector<16xf32>,
        %gather3A_267 = tpu.vector_load_idx %arg13[%add3A_40, %broadcast_in_dim3A_265] : memref<128x32xf32, #tpu.memory_space<vmem>>[vector<16xi32>, vector<16xi32>], vector<16xf32>,
        %gather3A_268 = tpu.vector_load_idx %arg11[%select_n3A, %broadcast_in_dim3A_265] : memref<128x32xf32, #tpu.memory_space<vmem>>[vector<16xi32>, vector<16xi32>], vector<16xf32>,
        %mul3A_269 = arith.mulf %gather3A_268, %gather3A_266 : vector<16xf32>
        %add3A_270 = arith.addf %add3A_255, %mul3A_269 : vector<16xf32>
        %mul3A_271 = arith.mulf %gather3A_266, %gather3A_266 : vector<16xf32>
        %add3A_272 = arith.addf %add3A_257, %mul3A_271 : vector<16xf32>
        %mul3A_273 = arith.mulf %gather3A_268, %gather3A_267 : vector<16xf32>
        %add3A_274 = arith.addf %add3A_259, %mul3A_273 : vector<16xf32>
        %mul3A_275 = arith.mulf %gather3A_267, %gather3A_267 : vector<16xf32>
        %add3A_276 = arith.addf %add3A_261, %mul3A_275 : vector<16xf32>
        %mul3A_277 = arith.mulf %gather3A_268, %gather3A_268 : vector<16xf32>
        %add3A_278 = arith.addf %add3A_263, %mul3A_277 : vector<16xf32>
        %broadcast_in_dim3A_279 = arith.constant 14 : i32
        %broadcast_in_dim3A_280 = vector.broadcast %broadcast_in_dim3A_279 : i32 to vector<16xi32>
        %gather3A_281 = tpu.vector_load_idx %arg12[%add3A_40, %broadcast_in_dim3A_280] : memref<128x32xf32, #tpu.memory_space<vmem>>[vector<16xi32>, vector<16xi32>], vector<16xf32>,
        %gather3A_282 = tpu.vector_load_idx %arg13[%add3A_40, %broadcast_in_dim3A_280] : memref<128x32xf32, #tpu.memory_space<vmem>>[vector<16xi32>, vector<16xi32>], vector<16xf32>,
        %gather3A_283 = tpu.vector_load_idx %arg11[%select_n3A, %broadcast_in_dim3A_280] : memref<128x32xf32, #tpu.memory_space<vmem>>[vector<16xi32>, vector<16xi32>], vector<16xf32>,
        %mul3A_284 = arith.mulf %gather3A_283, %gather3A_281 : vector<16xf32>
        %add3A_285 = arith.addf %add3A_270, %mul3A_284 : vector<16xf32>
        %mul3A_286 = arith.mulf %gather3A_281, %gather3A_281 : vector<16xf32>
        %add3A_287 = arith.addf %add3A_272, %mul3A_286 : vector<16xf32>
        %mul3A_288 = arith.mulf %gather3A_283, %gather3A_282 : vector<16xf32>
        %add3A_289 = arith.addf %add3A_274, %mul3A_288 : vector<16xf32>
        %mul3A_290 = arith.mulf %gather3A_282, %gather3A_282 : vector<16xf32>
        %add3A_291 = arith.addf %add3A_276, %mul3A_290 : vector<16xf32>
        %mul3A_292 = arith.mulf %gather3A_283, %gather3A_283 : vector<16xf32>
        %add3A_293 = arith.addf %add3A_278, %mul3A_292 : vector<16xf32>
        %broadcast_in_dim3A_294 = arith.constant 15 : i32
        %broadcast_in_dim3A_295 = vector.broadcast %broadcast_in_dim3A_294 : i32 to vector<16xi32>
        %gather3A_296 = tpu.vector_load_idx %arg12[%add3A_40, %broadcast_in_dim3A_295] : memref<128x32xf32, #tpu.memory_space<vmem>>[vector<16xi32>, vector<16xi32>], vector<16xf32>,
        %gather3A_297 = tpu.vector_load_idx %arg13[%add3A_40, %broadcast_in_dim3A_295] : memref<128x32xf32, #tpu.memory_space<vmem>>[vector<16xi32>, vector<16xi32>], vector<16xf32>,
        %gather3A_298 = tpu.vector_load_idx %arg11[%select_n3A, %broadcast_in_dim3A_295] : memref<128x32xf32, #tpu.memory_space<vmem>>[vector<16xi32>, vector<16xi32>], vector<16xf32>,
        %mul3A_299 = arith.mulf %gather3A_298, %gather3A_296 : vector<16xf32>
        %add3A_300 = arith.addf %add3A_285, %mul3A_299 : vector<16xf32>
        %mul3A_301 = arith.mulf %gather3A_296, %gather3A_296 : vector<16xf32>
        %add3A_302 = arith.addf %add3A_287, %mul3A_301 : vector<16xf32>
        %mul3A_303 = arith.mulf %gather3A_298, %gather3A_297 : vector<16xf32>
        %add3A_304 = arith.addf %add3A_289, %mul3A_303 : vector<16xf32>
        %mul3A_305 = arith.mulf %gather3A_297, %gather3A_297 : vector<16xf32>
        %add3A_306 = arith.addf %add3A_291, %mul3A_305 : vector<16xf32>
        %mul3A_307 = arith.mulf %gather3A_298, %gather3A_298 : vector<16xf32>
        %add3A_308 = arith.addf %add3A_293, %mul3A_307 : vector<16xf32>
        %broadcast_in_dim3A_309 = arith.constant 16 : i32
        %broadcast_in_dim3A_310 = vector.broadcast %broadcast_in_dim3A_309 : i32 to vector<16xi32>
        %gather3A_311 = tpu.vector_load_idx %arg12[%add3A_40, %broadcast_in_dim3A_310] : memref<128x32xf32, #tpu.memory_space<vmem>>[vector<16xi32>, vector<16xi32>], vector<16xf32>,
        %gather3A_312 = tpu.vector_load_idx %arg13[%add3A_40, %broadcast_in_dim3A_310] : memref<128x32xf32, #tpu.memory_space<vmem>>[vector<16xi32>, vector<16xi32>], vector<16xf32>,
        %gather3A_313 = tpu.vector_load_idx %arg11[%select_n3A, %broadcast_in_dim3A_310] : memref<128x32xf32, #tpu.memory_space<vmem>>[vector<16xi32>, vector<16xi32>], vector<16xf32>,
        %mul3A_314 = arith.mulf %gather3A_313, %gather3A_311 : vector<16xf32>
        %add3A_315 = arith.addf %add3A_300, %mul3A_314 : vector<16xf32>
        %mul3A_316 = arith.mulf %gather3A_311, %gather3A_311 : vector<16xf32>
        %add3A_317 = arith.addf %add3A_302, %mul3A_316 : vector<16xf32>
        %mul3A_318 = arith.mulf %gather3A_313, %gather3A_312 : vector<16xf32>
        %add3A_319 = arith.addf %add3A_304, %mul3A_318 : vector<16xf32>
        %mul3A_320 = arith.mulf %gather3A_312, %gather3A_312 : vector<16xf32>
        %add3A_321 = arith.addf %add3A_306, %mul3A_320 : vector<16xf32>
        %mul3A_322 = arith.mulf %gather3A_313, %gather3A_313 : vector<16xf32>
        %add3A_323 = arith.addf %add3A_308, %mul3A_322 : vector<16xf32>
        %broadcast_in_dim3A_324 = arith.constant 17 : i32
        %broadcast_in_dim3A_325 = vector.broadcast %broadcast_in_dim3A_324 : i32 to vector<16xi32>
        %gather3A_326 = tpu.vector_load_idx %arg12[%add3A_40, %broadcast_in_dim3A_325] : memref<128x32xf32, #tpu.memory_space<vmem>>[vector<16xi32>, vector<16xi32>], vector<16xf32>,
        %gather3A_327 = tpu.vector_load_idx %arg13[%add3A_40, %broadcast_in_dim3A_325] : memref<128x32xf32, #tpu.memory_space<vmem>>[vector<16xi32>, vector<16xi32>], vector<16xf32>,
        %gather3A_328 = tpu.vector_load_idx %arg11[%select_n3A, %broadcast_in_dim3A_325] : memref<128x32xf32, #tpu.memory_space<vmem>>[vector<16xi32>, vector<16xi32>], vector<16xf32>,
        %mul3A_329 = arith.mulf %gather3A_328, %gather3A_326 : vector<16xf32>
        %add3A_330 = arith.addf %add3A_315, %mul3A_329 : vector<16xf32>
        %mul3A_331 = arith.mulf %gather3A_326, %gather3A_326 : vector<16xf32>
        %add3A_332 = arith.addf %add3A_317, %mul3A_331 : vector<16xf32>
        %mul3A_333 = arith.mulf %gather3A_328, %gather3A_327 : vector<16xf32>
        %add3A_334 = arith.addf %add3A_319, %mul3A_333 : vector<16xf32>
        %mul3A_335 = arith.mulf %gather3A_327, %gather3A_327 : vector<16xf32>
        %add3A_336 = arith.addf %add3A_321, %mul3A_335 : vector<16xf32>
        %mul3A_337 = arith.mulf %gather3A_328, %gather3A_328 : vector<16xf32>
        %add3A_338 = arith.addf %add3A_323, %mul3A_337 : vector<16xf32>
        %broadcast_in_dim3A_339 = arith.constant 18 : i32
        %broadcast_in_dim3A_340 = vector.broadcast %broadcast_in_dim3A_339 : i32 to vector<16xi32>
        %gather3A_341 = tpu.vector_load_idx %arg12[%add3A_40, %broadcast_in_dim3A_340] : memref<128x32xf32, #tpu.memory_space<vmem>>[vector<16xi32>, vector<16xi32>], vector<16xf32>,
        %gather3A_342 = tpu.vector_load_idx %arg13[%add3A_40, %broadcast_in_dim3A_340] : memref<128x32xf32, #tpu.memory_space<vmem>>[vector<16xi32>, vector<16xi32>], vector<16xf32>,
        %gather3A_343 = tpu.vector_load_idx %arg11[%select_n3A, %broadcast_in_dim3A_340] : memref<128x32xf32, #tpu.memory_space<vmem>>[vector<16xi32>, vector<16xi32>], vector<16xf32>,
        %mul3A_344 = arith.mulf %gather3A_343, %gather3A_341 : vector<16xf32>
        %add3A_345 = arith.addf %add3A_330, %mul3A_344 : vector<16xf32>
        %mul3A_346 = arith.mulf %gather3A_341, %gather3A_341 : vector<16xf32>
        %add3A_347 = arith.addf %add3A_332, %mul3A_346 : vector<16xf32>
        %mul3A_348 = arith.mulf %gather3A_343, %gather3A_342 : vector<16xf32>
        %add3A_349 = arith.addf %add3A_334, %mul3A_348 : vector<16xf32>
        %mul3A_350 = arith.mulf %gather3A_342, %gather3A_342 : vector<16xf32>
        %add3A_351 = arith.addf %add3A_336, %mul3A_350 : vector<16xf32>
        %mul3A_352 = arith.mulf %gather3A_343, %gather3A_343 : vector<16xf32>
        %add3A_353 = arith.addf %add3A_338, %mul3A_352 : vector<16xf32>
        %broadcast_in_dim3A_354 = arith.constant 19 : i32
        %broadcast_in_dim3A_355 = vector.broadcast %broadcast_in_dim3A_354 : i32 to vector<16xi32>
        %gather3A_356 = tpu.vector_load_idx %arg12[%add3A_40, %broadcast_in_dim3A_355] : memref<128x32xf32, #tpu.memory_space<vmem>>[vector<16xi32>, vector<16xi32>], vector<16xf32>,
        %gather3A_357 = tpu.vector_load_idx %arg13[%add3A_40, %broadcast_in_dim3A_355] : memref<128x32xf32, #tpu.memory_space<vmem>>[vector<16xi32>, vector<16xi32>], vector<16xf32>,
        %gather3A_358 = tpu.vector_load_idx %arg11[%select_n3A, %broadcast_in_dim3A_355] : memref<128x32xf32, #tpu.memory_space<vmem>>[vector<16xi32>, vector<16xi32>], vector<16xf32>,
        %mul3A_359 = arith.mulf %gather3A_358, %gather3A_356 : vector<16xf32>
        %add3A_360 = arith.addf %add3A_345, %mul3A_359 : vector<16xf32>
        %mul3A_361 = arith.mulf %gather3A_356, %gather3A_356 : vector<16xf32>
        %add3A_362 = arith.addf %add3A_347, %mul3A_361 : vector<16xf32>
        %mul3A_363 = arith.mulf %gather3A_358, %gather3A_357 : vector<16xf32>
        %add3A_364 = arith.addf %add3A_349, %mul3A_363 : vector<16xf32>
        %mul3A_365 = arith.mulf %gather3A_357, %gather3A_357 : vector<16xf32>
        %add3A_366 = arith.addf %add3A_351, %mul3A_365 : vector<16xf32>
        %mul3A_367 = arith.mulf %gather3A_358, %gather3A_358 : vector<16xf32>
        %add3A_368 = arith.addf %add3A_353, %mul3A_367 : vector<16xf32>
        %broadcast_in_dim3A_369 = arith.constant 20 : i32
        %broadcast_in_dim3A_370 = vector.broadcast %broadcast_in_dim3A_369 : i32 to vector<16xi32>
        %gather3A_371 = tpu.vector_load_idx %arg12[%add3A_40, %broadcast_in_dim3A_370] : memref<128x32xf32, #tpu.memory_space<vmem>>[vector<16xi32>, vector<16xi32>], vector<16xf32>,
        %gather3A_372 = tpu.vector_load_idx %arg13[%add3A_40, %broadcast_in_dim3A_370] : memref<128x32xf32, #tpu.memory_space<vmem>>[vector<16xi32>, vector<16xi32>], vector<16xf32>,
        %gather3A_373 = tpu.vector_load_idx %arg11[%select_n3A, %broadcast_in_dim3A_370] : memref<128x32xf32, #tpu.memory_space<vmem>>[vector<16xi32>, vector<16xi32>], vector<16xf32>,
        %mul3A_374 = arith.mulf %gather3A_373, %gather3A_371 : vector<16xf32>
        %add3A_375 = arith.addf %add3A_360, %mul3A_374 : vector<16xf32>
        %mul3A_376 = arith.mulf %gather3A_371, %gather3A_371 : vector<16xf32>
        %add3A_377 = arith.addf %add3A_362, %mul3A_376 : vector<16xf32>
        %mul3A_378 = arith.mulf %gather3A_373, %gather3A_372 : vector<16xf32>
        %add3A_379 = arith.addf %add3A_364, %mul3A_378 : vector<16xf32>
        %mul3A_380 = arith.mulf %gather3A_372, %gather3A_372 : vector<16xf32>
        %add3A_381 = arith.addf %add3A_366, %mul3A_380 : vector<16xf32>
        %mul3A_382 = arith.mulf %gather3A_373, %gather3A_373 : vector<16xf32>
        %add3A_383 = arith.addf %add3A_368, %mul3A_382 : vector<16xf32>
        %broadcast_in_dim3A_384 = arith.constant 21 : i32
        %broadcast_in_dim3A_385 = vector.broadcast %broadcast_in_dim3A_384 : i32 to vector<16xi32>
        %gather3A_386 = tpu.vector_load_idx %arg12[%add3A_40, %broadcast_in_dim3A_385] : memref<128x32xf32, #tpu.memory_space<vmem>>[vector<16xi32>, vector<16xi32>], vector<16xf32>,
        %gather3A_387 = tpu.vector_load_idx %arg13[%add3A_40, %broadcast_in_dim3A_385] : memref<128x32xf32, #tpu.memory_space<vmem>>[vector<16xi32>, vector<16xi32>], vector<16xf32>,
        %gather3A_388 = tpu.vector_load_idx %arg11[%select_n3A, %broadcast_in_dim3A_385] : memref<128x32xf32, #tpu.memory_space<vmem>>[vector<16xi32>, vector<16xi32>], vector<16xf32>,
        %mul3A_389 = arith.mulf %gather3A_388, %gather3A_386 : vector<16xf32>
        %add3A_390 = arith.addf %add3A_375, %mul3A_389 : vector<16xf32>
        %mul3A_391 = arith.mulf %gather3A_386, %gather3A_386 : vector<16xf32>
        %add3A_392 = arith.addf %add3A_377, %mul3A_391 : vector<16xf32>
        %mul3A_393 = arith.mulf %gather3A_388, %gather3A_387 : vector<16xf32>
        %add3A_394 = arith.addf %add3A_379, %mul3A_393 : vector<16xf32>
        %mul3A_395 = arith.mulf %gather3A_387, %gather3A_387 : vector<16xf32>
        %add3A_396 = arith.addf %add3A_381, %mul3A_395 : vector<16xf32>
        %mul3A_397 = arith.mulf %gather3A_388, %gather3A_388 : vector<16xf32>
        %add3A_398 = arith.addf %add3A_383, %mul3A_397 : vector<16xf32>
        %broadcast_in_dim3A_399 = arith.constant 22 : i32
        %broadcast_in_dim3A_400 = vector.broadcast %broadcast_in_dim3A_399 : i32 to vector<16xi32>
        %gather3A_401 = tpu.vector_load_idx %arg12[%add3A_40, %broadcast_in_dim3A_400] : memref<128x32xf32, #tpu.memory_space<vmem>>[vector<16xi32>, vector<16xi32>], vector<16xf32>,
        %gather3A_402 = tpu.vector_load_idx %arg13[%add3A_40, %broadcast_in_dim3A_400] : memref<128x32xf32, #tpu.memory_space<vmem>>[vector<16xi32>, vector<16xi32>], vector<16xf32>,
        %gather3A_403 = tpu.vector_load_idx %arg11[%select_n3A, %broadcast_in_dim3A_400] : memref<128x32xf32, #tpu.memory_space<vmem>>[vector<16xi32>, vector<16xi32>], vector<16xf32>,
        %mul3A_404 = arith.mulf %gather3A_403, %gather3A_401 : vector<16xf32>
        %add3A_405 = arith.addf %add3A_390, %mul3A_404 : vector<16xf32>
        %mul3A_406 = arith.mulf %gather3A_401, %gather3A_401 : vector<16xf32>
        %add3A_407 = arith.addf %add3A_392, %mul3A_406 : vector<16xf32>
        %mul3A_408 = arith.mulf %gather3A_403, %gather3A_402 : vector<16xf32>
        %add3A_409 = arith.addf %add3A_394, %mul3A_408 : vector<16xf32>
        %mul3A_410 = arith.mulf %gather3A_402, %gather3A_402 : vector<16xf32>
        %add3A_411 = arith.addf %add3A_396, %mul3A_410 : vector<16xf32>
        %mul3A_412 = arith.mulf %gather3A_403, %gather3A_403 : vector<16xf32>
        %add3A_413 = arith.addf %add3A_398, %mul3A_412 : vector<16xf32>
        %broadcast_in_dim3A_414 = arith.constant 23 : i32
        %broadcast_in_dim3A_415 = vector.broadcast %broadcast_in_dim3A_414 : i32 to vector<16xi32>
        %gather3A_416 = tpu.vector_load_idx %arg12[%add3A_40, %broadcast_in_dim3A_415] : memref<128x32xf32, #tpu.memory_space<vmem>>[vector<16xi32>, vector<16xi32>], vector<16xf32>,
        %gather3A_417 = tpu.vector_load_idx %arg13[%add3A_40, %broadcast_in_dim3A_415] : memref<128x32xf32, #tpu.memory_space<vmem>>[vector<16xi32>, vector<16xi32>], vector<16xf32>,
        %gather3A_418 = tpu.vector_load_idx %arg11[%select_n3A, %broadcast_in_dim3A_415] : memref<128x32xf32, #tpu.memory_space<vmem>>[vector<16xi32>, vector<16xi32>], vector<16xf32>,
        %mul3A_419 = arith.mulf %gather3A_418, %gather3A_416 : vector<16xf32>
        %add3A_420 = arith.addf %add3A_405, %mul3A_419 : vector<16xf32>
        %mul3A_421 = arith.mulf %gather3A_416, %gather3A_416 : vector<16xf32>
        %add3A_422 = arith.addf %add3A_407, %mul3A_421 : vector<16xf32>
        %mul3A_423 = arith.mulf %gather3A_418, %gather3A_417 : vector<16xf32>
        %add3A_424 = arith.addf %add3A_409, %mul3A_423 : vector<16xf32>
        %mul3A_425 = arith.mulf %gather3A_417, %gather3A_417 : vector<16xf32>
        %add3A_426 = arith.addf %add3A_411, %mul3A_425 : vector<16xf32>
        %mul3A_427 = arith.mulf %gather3A_418, %gather3A_418 : vector<16xf32>
        %add3A_428 = arith.addf %add3A_413, %mul3A_427 : vector<16xf32>
        %broadcast_in_dim3A_429 = arith.constant 24 : i32
        %broadcast_in_dim3A_430 = vector.broadcast %broadcast_in_dim3A_429 : i32 to vector<16xi32>
        %gather3A_431 = tpu.vector_load_idx %arg12[%add3A_40, %broadcast_in_dim3A_430] : memref<128x32xf32, #tpu.memory_space<vmem>>[vector<16xi32>, vector<16xi32>], vector<16xf32>,
        %gather3A_432 = tpu.vector_load_idx %arg13[%add3A_40, %broadcast_in_dim3A_430] : memref<128x32xf32, #tpu.memory_space<vmem>>[vector<16xi32>, vector<16xi32>], vector<16xf32>,
        %gather3A_433 = tpu.vector_load_idx %arg11[%select_n3A, %broadcast_in_dim3A_430] : memref<128x32xf32, #tpu.memory_space<vmem>>[vector<16xi32>, vector<16xi32>], vector<16xf32>,
        %mul3A_434 = arith.mulf %gather3A_433, %gather3A_431 : vector<16xf32>
        %add3A_435 = arith.addf %add3A_420, %mul3A_434 : vector<16xf32>
        %mul3A_436 = arith.mulf %gather3A_431, %gather3A_431 : vector<16xf32>
        %add3A_437 = arith.addf %add3A_422, %mul3A_436 : vector<16xf32>
        %mul3A_438 = arith.mulf %gather3A_433, %gather3A_432 : vector<16xf32>
        %add3A_439 = arith.addf %add3A_424, %mul3A_438 : vector<16xf32>
        %mul3A_440 = arith.mulf %gather3A_432, %gather3A_432 : vector<16xf32>
        %add3A_441 = arith.addf %add3A_426, %mul3A_440 : vector<16xf32>
        %mul3A_442 = arith.mulf %gather3A_433, %gather3A_433 : vector<16xf32>
        %add3A_443 = arith.addf %add3A_428, %mul3A_442 : vector<16xf32>
        %broadcast_in_dim3A_444 = arith.constant 25 : i32
        %broadcast_in_dim3A_445 = vector.broadcast %broadcast_in_dim3A_444 : i32 to vector<16xi32>
        %gather3A_446 = tpu.vector_load_idx %arg12[%add3A_40, %broadcast_in_dim3A_445] : memref<128x32xf32, #tpu.memory_space<vmem>>[vector<16xi32>, vector<16xi32>], vector<16xf32>,
        %gather3A_447 = tpu.vector_load_idx %arg13[%add3A_40, %broadcast_in_dim3A_445] : memref<128x32xf32, #tpu.memory_space<vmem>>[vector<16xi32>, vector<16xi32>], vector<16xf32>,
        %gather3A_448 = tpu.vector_load_idx %arg11[%select_n3A, %broadcast_in_dim3A_445] : memref<128x32xf32, #tpu.memory_space<vmem>>[vector<16xi32>, vector<16xi32>], vector<16xf32>,
        %mul3A_449 = arith.mulf %gather3A_448, %gather3A_446 : vector<16xf32>
        %add3A_450 = arith.addf %add3A_435, %mul3A_449 : vector<16xf32>
        %mul3A_451 = arith.mulf %gather3A_446, %gather3A_446 : vector<16xf32>
        %add3A_452 = arith.addf %add3A_437, %mul3A_451 : vector<16xf32>
        %mul3A_453 = arith.mulf %gather3A_448, %gather3A_447 : vector<16xf32>
        %add3A_454 = arith.addf %add3A_439, %mul3A_453 : vector<16xf32>
        %mul3A_455 = arith.mulf %gather3A_447, %gather3A_447 : vector<16xf32>
        %add3A_456 = arith.addf %add3A_441, %mul3A_455 : vector<16xf32>
        %mul3A_457 = arith.mulf %gather3A_448, %gather3A_448 : vector<16xf32>
        %add3A_458 = arith.addf %add3A_443, %mul3A_457 : vector<16xf32>
        %broadcast_in_dim3A_459 = arith.constant 26 : i32
        %broadcast_in_dim3A_460 = vector.broadcast %broadcast_in_dim3A_459 : i32 to vector<16xi32>
        %gather3A_461 = tpu.vector_load_idx %arg12[%add3A_40, %broadcast_in_dim3A_460] : memref<128x32xf32, #tpu.memory_space<vmem>>[vector<16xi32>, vector<16xi32>], vector<16xf32>,
        %gather3A_462 = tpu.vector_load_idx %arg13[%add3A_40, %broadcast_in_dim3A_460] : memref<128x32xf32, #tpu.memory_space<vmem>>[vector<16xi32>, vector<16xi32>], vector<16xf32>,
        %gather3A_463 = tpu.vector_load_idx %arg11[%select_n3A, %broadcast_in_dim3A_460] : memref<128x32xf32, #tpu.memory_space<vmem>>[vector<16xi32>, vector<16xi32>], vector<16xf32>,
        %mul3A_464 = arith.mulf %gather3A_463, %gather3A_461 : vector<16xf32>
        %add3A_465 = arith.addf %add3A_450, %mul3A_464 : vector<16xf32>
        %mul3A_466 = arith.mulf %gather3A_461, %gather3A_461 : vector<16xf32>
        %add3A_467 = arith.addf %add3A_452, %mul3A_466 : vector<16xf32>
        %mul3A_468 = arith.mulf %gather3A_463, %gather3A_462 : vector<16xf32>
        %add3A_469 = arith.addf %add3A_454, %mul3A_468 : vector<16xf32>
        %mul3A_470 = arith.mulf %gather3A_462, %gather3A_462 : vector<16xf32>
        %add3A_471 = arith.addf %add3A_456, %mul3A_470 : vector<16xf32>
        %mul3A_472 = arith.mulf %gather3A_463, %gather3A_463 : vector<16xf32>
        %add3A_473 = arith.addf %add3A_458, %mul3A_472 : vector<16xf32>
        %broadcast_in_dim3A_474 = arith.constant 27 : i32
        %broadcast_in_dim3A_475 = vector.broadcast %broadcast_in_dim3A_474 : i32 to vector<16xi32>
        %gather3A_476 = tpu.vector_load_idx %arg12[%add3A_40, %broadcast_in_dim3A_475] : memref<128x32xf32, #tpu.memory_space<vmem>>[vector<16xi32>, vector<16xi32>], vector<16xf32>,
        %gather3A_477 = tpu.vector_load_idx %arg13[%add3A_40, %broadcast_in_dim3A_475] : memref<128x32xf32, #tpu.memory_space<vmem>>[vector<16xi32>, vector<16xi32>], vector<16xf32>,
        %gather3A_478 = tpu.vector_load_idx %arg11[%select_n3A, %broadcast_in_dim3A_475] : memref<128x32xf32, #tpu.memory_space<vmem>>[vector<16xi32>, vector<16xi32>], vector<16xf32>,
        %mul3A_479 = arith.mulf %gather3A_478, %gather3A_476 : vector<16xf32>
        %add3A_480 = arith.addf %add3A_465, %mul3A_479 : vector<16xf32>
        %mul3A_481 = arith.mulf %gather3A_476, %gather3A_476 : vector<16xf32>
        %add3A_482 = arith.addf %add3A_467, %mul3A_481 : vector<16xf32>
        %mul3A_483 = arith.mulf %gather3A_478, %gather3A_477 : vector<16xf32>
        %add3A_484 = arith.addf %add3A_469, %mul3A_483 : vector<16xf32>
        %mul3A_485 = arith.mulf %gather3A_477, %gather3A_477 : vector<16xf32>
        %add3A_486 = arith.addf %add3A_471, %mul3A_485 : vector<16xf32>
        %mul3A_487 = arith.mulf %gather3A_478, %gather3A_478 : vector<16xf32>
        %add3A_488 = arith.addf %add3A_473, %mul3A_487 : vector<16xf32>
        %broadcast_in_dim3A_489 = arith.constant 28 : i32
        %broadcast_in_dim3A_490 = vector.broadcast %broadcast_in_dim3A_489 : i32 to vector<16xi32>
        %gather3A_491 = tpu.vector_load_idx %arg12[%add3A_40, %broadcast_in_dim3A_490] : memref<128x32xf32, #tpu.memory_space<vmem>>[vector<16xi32>, vector<16xi32>], vector<16xf32>,
        %gather3A_492 = tpu.vector_load_idx %arg13[%add3A_40, %broadcast_in_dim3A_490] : memref<128x32xf32, #tpu.memory_space<vmem>>[vector<16xi32>, vector<16xi32>], vector<16xf32>,
        %gather3A_493 = tpu.vector_load_idx %arg11[%select_n3A, %broadcast_in_dim3A_490] : memref<128x32xf32, #tpu.memory_space<vmem>>[vector<16xi32>, vector<16xi32>], vector<16xf32>,
        %mul3A_494 = arith.mulf %gather3A_493, %gather3A_491 : vector<16xf32>
        %add3A_495 = arith.addf %add3A_480, %mul3A_494 : vector<16xf32>
        %mul3A_496 = arith.mulf %gather3A_491, %gather3A_491 : vector<16xf32>
        %add3A_497 = arith.addf %add3A_482, %mul3A_496 : vector<16xf32>
        %mul3A_498 = arith.mulf %gather3A_493, %gather3A_492 : vector<16xf32>
        %add3A_499 = arith.addf %add3A_484, %mul3A_498 : vector<16xf32>
        %mul3A_500 = arith.mulf %gather3A_492, %gather3A_492 : vector<16xf32>
        %add3A_501 = arith.addf %add3A_486, %mul3A_500 : vector<16xf32>
        %mul3A_502 = arith.mulf %gather3A_493, %gather3A_493 : vector<16xf32>
        %add3A_503 = arith.addf %add3A_488, %mul3A_502 : vector<16xf32>
        %broadcast_in_dim3A_504 = arith.constant 29 : i32
        %broadcast_in_dim3A_505 = vector.broadcast %broadcast_in_dim3A_504 : i32 to vector<16xi32>
        %gather3A_506 = tpu.vector_load_idx %arg12[%add3A_40, %broadcast_in_dim3A_505] : memref<128x32xf32, #tpu.memory_space<vmem>>[vector<16xi32>, vector<16xi32>], vector<16xf32>,
        %gather3A_507 = tpu.vector_load_idx %arg13[%add3A_40, %broadcast_in_dim3A_505] : memref<128x32xf32, #tpu.memory_space<vmem>>[vector<16xi32>, vector<16xi32>], vector<16xf32>,
        %gather3A_508 = tpu.vector_load_idx %arg11[%select_n3A, %broadcast_in_dim3A_505] : memref<128x32xf32, #tpu.memory_space<vmem>>[vector<16xi32>, vector<16xi32>], vector<16xf32>,
        %mul3A_509 = arith.mulf %gather3A_508, %gather3A_506 : vector<16xf32>
        %add3A_510 = arith.addf %add3A_495, %mul3A_509 : vector<16xf32>
        %mul3A_511 = arith.mulf %gather3A_506, %gather3A_506 : vector<16xf32>
        %add3A_512 = arith.addf %add3A_497, %mul3A_511 : vector<16xf32>
        %mul3A_513 = arith.mulf %gather3A_508, %gather3A_507 : vector<16xf32>
        %add3A_514 = arith.addf %add3A_499, %mul3A_513 : vector<16xf32>
        %mul3A_515 = arith.mulf %gather3A_507, %gather3A_507 : vector<16xf32>
        %add3A_516 = arith.addf %add3A_501, %mul3A_515 : vector<16xf32>
        %mul3A_517 = arith.mulf %gather3A_508, %gather3A_508 : vector<16xf32>
        %add3A_518 = arith.addf %add3A_503, %mul3A_517 : vector<16xf32>
        %broadcast_in_dim3A_519 = arith.constant 30 : i32
        %broadcast_in_dim3A_520 = vector.broadcast %broadcast_in_dim3A_519 : i32 to vector<16xi32>
        %gather3A_521 = tpu.vector_load_idx %arg12[%add3A_40, %broadcast_in_dim3A_520] : memref<128x32xf32, #tpu.memory_space<vmem>>[vector<16xi32>, vector<16xi32>], vector<16xf32>,
        %gather3A_522 = tpu.vector_load_idx %arg13[%add3A_40, %broadcast_in_dim3A_520] : memref<128x32xf32, #tpu.memory_space<vmem>>[vector<16xi32>, vector<16xi32>], vector<16xf32>,
        %gather3A_523 = tpu.vector_load_idx %arg11[%select_n3A, %broadcast_in_dim3A_520] : memref<128x32xf32, #tpu.memory_space<vmem>>[vector<16xi32>, vector<16xi32>], vector<16xf32>,
        %mul3A_524 = arith.mulf %gather3A_523, %gather3A_521 : vector<16xf32>
        %add3A_525 = arith.addf %add3A_510, %mul3A_524 : vector<16xf32>
        %mul3A_526 = arith.mulf %gather3A_521, %gather3A_521 : vector<16xf32>
        %add3A_527 = arith.addf %add3A_512, %mul3A_526 : vector<16xf32>
        %mul3A_528 = arith.mulf %gather3A_523, %gather3A_522 : vector<16xf32>
        %add3A_529 = arith.addf %add3A_514, %mul3A_528 : vector<16xf32>
        %mul3A_530 = arith.mulf %gather3A_522, %gather3A_522 : vector<16xf32>
        %add3A_531 = arith.addf %add3A_516, %mul3A_530 : vector<16xf32>
        %mul3A_532 = arith.mulf %gather3A_523, %gather3A_523 : vector<16xf32>
        %add3A_533 = arith.addf %add3A_518, %mul3A_532 : vector<16xf32>
        %broadcast_in_dim3A_534 = arith.constant 31 : i32
        %broadcast_in_dim3A_535 = vector.broadcast %broadcast_in_dim3A_534 : i32 to vector<16xi32>
        %gather3A_536 = tpu.vector_load_idx %arg12[%add3A_40, %broadcast_in_dim3A_535] : memref<128x32xf32, #tpu.memory_space<vmem>>[vector<16xi32>, vector<16xi32>], vector<16xf32>,
        %gather3A_537 = tpu.vector_load_idx %arg13[%add3A_40, %broadcast_in_dim3A_535] : memref<128x32xf32, #tpu.memory_space<vmem>>[vector<16xi32>, vector<16xi32>], vector<16xf32>,
        %gather3A_538 = tpu.vector_load_idx %arg11[%select_n3A, %broadcast_in_dim3A_535] : memref<128x32xf32, #tpu.memory_space<vmem>>[vector<16xi32>, vector<16xi32>], vector<16xf32>,
        %mul3A_539 = arith.mulf %gather3A_538, %gather3A_536 : vector<16xf32>
        %add3A_540 = arith.addf %add3A_525, %mul3A_539 : vector<16xf32>
        %mul3A_541 = arith.mulf %gather3A_536, %gather3A_536 : vector<16xf32>
        %add3A_542 = arith.addf %add3A_527, %mul3A_541 : vector<16xf32>
        %mul3A_543 = arith.mulf %gather3A_538, %gather3A_537 : vector<16xf32>
        %add3A_544 = arith.addf %add3A_529, %mul3A_543 : vector<16xf32>
        %mul3A_545 = arith.mulf %gather3A_537, %gather3A_537 : vector<16xf32>
        %add3A_546 = arith.addf %add3A_531, %mul3A_545 : vector<16xf32>
        %mul3A_547 = arith.mulf %gather3A_538, %gather3A_538 : vector<16xf32>
        %add3A_548 = arith.addf %add3A_533, %mul3A_547 : vector<16xf32>
        %mul3A_549 = arith.mulf %add3A_548, %add3A_542 : vector<16xf32>
        %bitcast3A = vector.bitcast %mul3A_549 : vector<16xf32> to vector<16xi32>
        %broadcast_in_dim3A_550 = arith.constant 1597463007 : i32
        %broadcast_in_dim3A_551 = vector.broadcast %broadcast_in_dim3A_550 : i32 to vector<16xi32>
        %shift_right_arithmetic3A = arith.constant 1 : i32
        %shift_right_arithmetic3A_552 = vector.broadcast %shift_right_arithmetic3A : i32 to vector<16xi32>
        %shift_right_arithmetic3A_553 = arith.shrsi %bitcast3A, %shift_right_arithmetic3A_552 : vector<16xi32>
        %sub3A_554 = arith.subi %broadcast_in_dim3A_551, %shift_right_arithmetic3A_553 : vector<16xi32>
        %bitcast3A_555 = vector.bitcast %sub3A_554 : vector<16xi32> to vector<16xf32>
        %mul3A_556 = arith.constant 5.000000e-01 : f32
        %mul3A_557 = vector.broadcast %mul3A_556 : f32 to vector<16xf32>
        %mul3A_558 = arith.mulf %mul3A_557, %mul3A_549 : vector<16xf32>
        %mul3A_559 = arith.mulf %mul3A_558, %bitcast3A_555 : vector<16xf32>
        %mul3A_560 = arith.mulf %mul3A_559, %bitcast3A_555 : vector<16xf32>
        %sub3A_561 = arith.constant 1.500000e+00 : f32
        %sub3A_562 = vector.broadcast %sub3A_561 : f32 to vector<16xf32>
        %sub3A_563 = arith.subf %sub3A_562, %mul3A_560 : vector<16xf32>
        %mul3A_564 = arith.mulf %bitcast3A_555, %sub3A_563 : vector<16xf32>
        %mul3A_565 = arith.constant 5.000000e-01 : f32
        %mul3A_566 = vector.broadcast %mul3A_565 : f32 to vector<16xf32>
        %mul3A_567 = arith.mulf %mul3A_566, %mul3A_549 : vector<16xf32>
        %mul3A_568 = arith.mulf %mul3A_567, %mul3A_564 : vector<16xf32>
        %mul3A_569 = arith.mulf %mul3A_568, %mul3A_564 : vector<16xf32>
        %sub3A_570 = arith.constant 1.500000e+00 : f32
        %sub3A_571 = vector.broadcast %sub3A_570 : f32 to vector<16xf32>
        %sub3A_572 = arith.subf %sub3A_571, %mul3A_569 : vector<16xf32>
        %mul3A_573 = arith.mulf %mul3A_564, %sub3A_572 : vector<16xf32>
        %mul3A_574 = arith.constant 5.000000e-01 : f32
        %mul3A_575 = vector.broadcast %mul3A_574 : f32 to vector<16xf32>
        %mul3A_576 = arith.mulf %mul3A_575, %mul3A_549 : vector<16xf32>
        %mul3A_577 = arith.mulf %mul3A_576, %mul3A_573 : vector<16xf32>
        %mul3A_578 = arith.mulf %mul3A_577, %mul3A_573 : vector<16xf32>
        %sub3A_579 = arith.constant 1.500000e+00 : f32
        %sub3A_580 = vector.broadcast %sub3A_579 : f32 to vector<16xf32>
        %sub3A_581 = arith.subf %sub3A_580, %mul3A_578 : vector<16xf32>
        %mul3A_582 = arith.mulf %mul3A_573, %sub3A_581 : vector<16xf32>
        %min3A = arith.constant 1.000000e+08 : f32
        %min3A_583 = vector.broadcast %min3A : f32 to vector<16xf32>
        %min3A_584 = arith.minimumf %mul3A_582, %min3A_583 : vector<16xf32>
        %mul3A_585 = arith.mulf %add3A_548, %add3A_546 : vector<16xf32>
        %bitcast3A_586 = vector.bitcast %mul3A_585 : vector<16xf32> to vector<16xi32>
        %broadcast_in_dim3A_587 = arith.constant 1597463007 : i32
        %broadcast_in_dim3A_588 = vector.broadcast %broadcast_in_dim3A_587 : i32 to vector<16xi32>
        %shift_right_arithmetic3A_589 = arith.constant 1 : i32
        %shift_right_arithmetic3A_590 = vector.broadcast %shift_right_arithmetic3A_589 : i32 to vector<16xi32>
        %shift_right_arithmetic3A_591 = arith.shrsi %bitcast3A_586, %shift_right_arithmetic3A_590 : vector<16xi32>
        %sub3A_592 = arith.subi %broadcast_in_dim3A_588, %shift_right_arithmetic3A_591 : vector<16xi32>
        %bitcast3A_593 = vector.bitcast %sub3A_592 : vector<16xi32> to vector<16xf32>
        %mul3A_594 = arith.constant 5.000000e-01 : f32
        %mul3A_595 = vector.broadcast %mul3A_594 : f32 to vector<16xf32>
        %mul3A_596 = arith.mulf %mul3A_595, %mul3A_585 : vector<16xf32>
        %mul3A_597 = arith.mulf %mul3A_596, %bitcast3A_593 : vector<16xf32>
        %mul3A_598 = arith.mulf %mul3A_597, %bitcast3A_593 : vector<16xf32>
        %sub3A_599 = arith.constant 1.500000e+00 : f32
        %sub3A_600 = vector.broadcast %sub3A_599 : f32 to vector<16xf32>
        %sub3A_601 = arith.subf %sub3A_600, %mul3A_598 : vector<16xf32>
        %mul3A_602 = arith.mulf %bitcast3A_593, %sub3A_601 : vector<16xf32>
        %mul3A_603 = arith.constant 5.000000e-01 : f32
        %mul3A_604 = vector.broadcast %mul3A_603 : f32 to vector<16xf32>
        %mul3A_605 = arith.mulf %mul3A_604, %mul3A_585 : vector<16xf32>
        %mul3A_606 = arith.mulf %mul3A_605, %mul3A_602 : vector<16xf32>
        %mul3A_607 = arith.mulf %mul3A_606, %mul3A_602 : vector<16xf32>
        %sub3A_608 = arith.constant 1.500000e+00 : f32
        %sub3A_609 = vector.broadcast %sub3A_608 : f32 to vector<16xf32>
        %sub3A_610 = arith.subf %sub3A_609, %mul3A_607 : vector<16xf32>
        %mul3A_611 = arith.mulf %mul3A_602, %sub3A_610 : vector<16xf32>
        %mul3A_612 = arith.constant 5.000000e-01 : f32
        %mul3A_613 = vector.broadcast %mul3A_612 : f32 to vector<16xf32>
        %mul3A_614 = arith.mulf %mul3A_613, %mul3A_585 : vector<16xf32>
        %mul3A_615 = arith.mulf %mul3A_614, %mul3A_611 : vector<16xf32>
        %mul3A_616 = arith.mulf %mul3A_615, %mul3A_611 : vector<16xf32>
        %sub3A_617 = arith.constant 1.500000e+00 : f32
        %sub3A_618 = vector.broadcast %sub3A_617 : f32 to vector<16xf32>
        %sub3A_619 = arith.subf %sub3A_618, %mul3A_616 : vector<16xf32>
        %mul3A_620 = arith.mulf %mul3A_611, %sub3A_619 : vector<16xf32>
        %min3A_621 = arith.constant 1.000000e+08 : f32
        %min3A_622 = vector.broadcast %min3A_621 : f32 to vector<16xf32>
        %min3A_623 = arith.minimumf %mul3A_620, %min3A_622 : vector<16xf32>
        %mul3A_624 = arith.mulf %add3A_544, %min3A_623 : vector<16xf32>
        %max3A = arith.constant 0.000000e+00 : f32
        %max3A_625 = vector.broadcast %max3A : f32 to vector<16xf32>
        %max3A_626 = arith.maximumf %mul3A_624, %max3A_625 : vector<16xf32>
        %add3A_627 = arith.addf %scan3A_36, %max3A_626 : vector<16xf32>
        %mul3A_628 = arith.mulf %add3A_540, %min3A_584 : vector<16xf32>
        %sub3A_629 = arith.subf %add3A_627, %mul3A_628 : vector<16xf32>
        scf.yield %sub3A_629 : vector<16xf32>
      }
      %scan3A_34 = arith.constant 8 : i32
      scf.yield %scan3A_33 : vector<16xf32>
    }
    %scan3A_8 = arith.constant 20 : i32
    %swap3A = arith.constant 0 : index
    %swap3A_9 = tpu.vector_load %arg14[%swap3A] {strides = array<i32>} : memref<16xf32, #tpu.memory_space<vmem>>, vector<16xf32>,
    tpu.vector_store %arg14[%swap3A], %scan3A_7 {strides = array<i32>} : memref<16xf32, #tpu.memory_space<vmem>>, vector<16xf32>,
    %mul3A_10 = arith.constant 16 : i32
    %mul3A_11 = arith.muli %add3A, %mul3A_10 : i32
    "tpu.region"() ({
      %run_scoped3A = tpu.sem_alloc : memref<!tpu.dma_semaphore, #tpu.memory_space<semaphore_mem>>
      %dma_start3A = tpu.memref_slice %arg7[%mul3A_11] : memref<512xf32, #tpu.memory_space<hbm>> -> memref<16xf32, #tpu.memory_space<hbm>>
      %dma_start3A_12 = tpu.memref_slice %arg7[%mul3A_11] : memref<512xf32, #tpu.memory_space<hbm>> -> memref<16xf32, #tpu.memory_space<hbm>>
      tpu.enqueue_dma source(%arg14 : memref<16xf32, #tpu.memory_space<vmem>>) target(%dma_start3A_12 : memref<16xf32, #tpu.memory_space<hbm>>) target_semaphore(%run_scoped3A : memref<!tpu.dma_semaphore, #tpu.memory_space<semaphore_mem>>)
      %dma_wait3A = tpu.memref_slice %arg7[%mul3A_11] : memref<512xf32, #tpu.memory_space<hbm>> -> memref<16xf32, #tpu.memory_space<hbm>>
      %dma_wait3A_13 = tpu.memref_slice %arg7[%mul3A_11] : memref<512xf32, #tpu.memory_space<hbm>> -> memref<16xf32, #tpu.memory_space<hbm>>
      tpu.wait_dma2 semaphore(%run_scoped3A : memref<!tpu.dma_semaphore, #tpu.memory_space<semaphore_mem>>) src(%arg14 : memref<16xf32, #tpu.memory_space<vmem>>) dst(%dma_wait3A_13 : memref<16xf32, #tpu.memory_space<hbm>>)
      tpu.yield
    }) : () -> ()
    return
  }
}

</mosaic_0001>

<sc_bundles>
// kernel: kernel.3.cloned.1.call-start
scs
__scs_entry_jumppad:
0x0: {  	(pc) =	sbr.rel $0x88, $3  }
0x1: {  	(tag) =	ssettag $0x0;
	lr =	simm.s32 $0x1  }
0x2: {  	[smem:$0x3F9C] =	sst lr;
	_ =	strace $0xD0000000  }
0x3: {  	_ = 	snop  }
0x4: {  	_ = 	snop  }
0x5: {  	_ = 	snop  }
0x6: {  	_ = 	snop  }
0x7: {  	_ = 	snop  }
__scs_overlays_trampoline_lowered:
0x8: {  	[smem:$0x3FAB] =	sst s0  }
0x9: {  	[smem:$0x3FAC] =	sst s1  }
0xa: {  	[smem:$0x3FAD] =	sst s2  }
0xb: {  	[smem:$0x3FAE] =	sst s3  }
0xc: {  	[smem:$0x3FAF] =	sst s4  }
0xd: {  	[smem:$0x3FB0] =	sst s5  }
0xe: {  	[smem:$0x3FB1] =	sst s6  }
0xf: {  	[smem:$0x3FB2] =	sst s7  }
0x10: {  	[smem:$0x3FB3] =	sst s8  }
0x11: {  	[smem:$0x3FB4] =	sst s9;
	s0 =	simm.s32 @!p0 $0x0  }
0x12: {  	s1 =	sld [smem:$0x3F9A];
	s0 =	simm.s32 @p0 $0x1  }
0x13: {  	[smem:$0x3FB5] =	sst s0;
	s0 =	simm.s32 @!p1 $0x0  }
0x14: {  	s2 =	sld [smem:$0x3F99];
	s0 =	simm.s32 @p1 $0x1  }
0x15: {  	[smem:$0x3FB6] =	sst s0;
	s0 =	simm.s32 @!p2 $0x0  }
0x16: {  	s3 =	sld [smem:$0x3FDB];
	s0 =	simm.s32 @p2 $0x1  }
0x17: {  	s4 =	simm.s32 $0x1BF5;
	[smem:$0x3FB8] =	sst s0  }
0x18: {  	s0 =	sld [smem:$0x3F9B];
	_ =	swait.ge [sflag:s4], $0x0  }
0x19: {  	s7 =	sld [smem:$0x3F9C]  }
0x1a: {  	s8 =	sadd.s32 $0xFFFFE003, lr  }
0x1b: {  	s9 =	sadd.s32 $0xFFFFFEF7, lr;
	s5 =	simm.s32 $0xFFFFFFFF;
	p2 =	slt.u32 s8, $0xFFFFF086  }
0x1c: {  	p1 =	slt.u32 s9, $0xF7A;
	s5 =	simm.s32 @!p2 $0x0  }
0x1d: {  	s5 =	simm.s32 @p1 $0x1;
	p0 =	seq.s32 s7, s2  }
0x1e: {  	s7 =	smul.u32 @!p0 $0xF7A, s2;
	p2 =	seq.s32 @!p0 s5, $0x0  }
0x1f: {  	s9 =	smul.u32 $0xF7A, s1;
	s8 =	simm.s32 @!p0 $0x1BF5;
	p2 =	por !p2, p0  }
0x20: {  	[sflag:s8] =	ssyncset.s32 @!p0 $0xFFFFF086;
	s6 =	sadd.s32 @!p0 s3, s7;
	s7 =	simm.s32 @!p0 $0x108  }
0x21: {  	s3 =	sadd.s32 s3, s9;
	s6 =	sadd.s32 @!p0 $0x88, s6;
	s7 =	simm.s32 @p2 $0x1082  }
0x22: {  	[simem:s7], [sflag:s8] =	dma.local @!p0 [hbm:s6], $0xF7A  }
0x23: {  	s9 =	sor.u32 $0xD0000000, s2;
	s6 =	simm.s32 $0x108;
	_ =	swait.ge @!p0 [sflag:s8], $0x0  }
0x24: {  	s3 =	sadd.s32 $0x88, s3;
	s6 =	simm.s32 @!p1 $0x1082;
	[sflag:s4] =	ssyncset.s32 $0xFFFFF086  }
0x25: {  	[simem:s6], [sflag:s4] =	dma.local [hbm:s3], $0xF7A  }
0x26: {  	[smem:$0x3F9C] =	sst s1;
	(tag) =	ssettag s2;
	_ =	strace s9  }
0x27: {  	s1 =	sld [smem:$0x3FAC]  }
0x28: {  	s2 =	sld [smem:$0x3FAD]  }
0x29: {  	s4 =	sld [smem:$0x3FAF]  }
0x2a: {  	p0 =	seq.s32 s5, $0x0;
	s5 =	sld [smem:$0x3FB0]  }
0x2b: {  	s6 =	sld [smem:$0x3FB1]  }
0x2c: {  	s7 =	sld [smem:$0x3FB2]  }
0x2d: {  	s3 =	simm.s32 $0x108;
	s8 =	sld [smem:$0x3FB3]  }
0x2e: {  	s3 =	simm.s32 @!p0 $0x1082;
	s9 =	sld [smem:$0x3FB4]  }
0x2f: {  	lr =	sadd.s32 s0, s3;
	s0 =	sld [smem:$0x3FAB]  }
0x30: {  	s3 =	sld [smem:$0x3FAE]  }
0x31: {  	[smem:$0x3FB7] =	sst s10  }
0x32: {  	s10 =	sld [smem:$0x3FB5];
	_ =	sdelay $0x3  }
0x33: {  	p0 =	seq.s32 s10, $0x1;
	s10 =	sld [smem:$0x3FB7];
	_ =	sdelay $0x3  }
0x34: {  	[smem:$0x3FB7] =	sst s10  }
0x35: {  	s10 =	sld [smem:$0x3FB6];
	_ =	sdelay $0x3  }
0x36: {  	p1 =	seq.s32 s10, $0x1;
	s10 =	sld [smem:$0x3FB7];
	_ =	sdelay $0x3  }
0x37: {  	[smem:$0x3FB7] =	sst s10  }
0x38: {  	s10 =	sld [smem:$0x3FB8]  }
0x39: {  	_ = 	snop;
	(pc) =	sbr.ind lr, $3  }
0x3a: {  	_ = 	snop  }
0x3b: {  	_ = 	snop  }
0x3c: {  	p2 =	seq.s32 s10, $0x1;
	s10 =	sld [smem:$0x3FB7]  }
0x3d: {  	_ =	shalt  }
0x3e: {  	_ =	shalt  }
0x3f: {  	_ =	shalt  }
0x40: {  	_ =	shalt  }
0x41: {  	_ =	shalt  }
0x42: {  	_ =	shalt  }
0x43: {  	_ =	shalt  }
0x44: {  	_ =	shalt  }
0x45: {  	_ =	shalt  }
0x46: {  	_ =	shalt  }
0x47: {  	_ =	shalt  }
0x48: {  	_ =	shalt  }
0x49: {  	_ =	shalt  }
0x4a: {  	_ =	shalt  }
0x4b: {  	_ =	shalt  }
0x4c: {  	_ =	shalt  }
0x4d: {  	_ =	shalt  }
0x4e: {  	_ =	shalt  }
0x4f: {  	_ =	shalt  }
0x50: {  	_ =	shalt  }
0x51: {  	_ =	shalt  }
0x52: {  	_ =	shalt  }
0x53: {  	_ =	shalt  }
0x54: {  	_ =	shalt  }
0x55: {  	_ =	shalt  }
0x56: {  	_ =	shalt  }
0x57: {  	_ =	shalt  }
0x58: {  	_ =	shalt  }
0x59: {  	_ =	shalt  }
0x5a: {  	_ =	shalt  }
0x5b: {  	_ =	shalt  }
0x5c: {  	_ =	shalt  }
0x5d: {  	_ =	shalt  }
0x5e: {  	_ =	shalt  }
0x5f: {  	_ =	shalt  }
0x60: {  	_ =	shalt  }
0x61: {  	_ =	shalt  }
0x62: {  	_ =	shalt  }
0x63: {  	_ =	shalt  }
0x64: {  	_ =	shalt  }
0x65: {  	_ =	shalt  }
0x66: {  	_ =	shalt  }
0x67: {  	_ =	shalt  }
0x68: {  	_ =	shalt  }
0x69: {  	_ =	shalt  }
0x6a: {  	_ =	shalt  }
0x6b: {  	_ =	shalt  }
0x6c: {  	_ =	shalt  }
0x6d: {  	_ =	shalt  }
0x6e: {  	_ =	shalt  }
0x6f: {  	_ =	shalt  }
0x70: {  	_ =	shalt  }
0x71: {  	_ =	shalt  }
0x72: {  	_ =	shalt  }
0x73: {  	_ =	shalt  }
0x74: {  	_ =	shalt  }
0x75: {  	_ =	shalt  }
0x76: {  	_ =	shalt  }
0x77: {  	_ =	shalt  }
0x78: {  	_ =	shalt  }
0x79: {  	_ =	shalt  }
0x7a: {  	_ =	shalt  }
0x7b: {  	_ =	shalt  }
0x7c: {  	_ =	shalt  }
0x7d: {  	_ =	shalt  }
0x7e: {  	_ =	shalt  }
0x7f: {  	_ =	shalt  }
0x80: {  	_ =	shalt  }
0x81: {  	_ =	shalt  }
0x82: {  	_ =	shalt  }
0x83: {  	_ =	shalt  }
0x84: {  	_ =	shalt  }
0x85: {  	_ =	shalt  }
0x86: {  	_ =	shalt  }
0x87: {  	_ =	shalt  }
.Lfunc_end0:
.L_simem_size_0:
called_computation_lowered:
.L_overlay_start_0:
0x88: {  	s2 =	sld [smem:$0x3FD9]  }
0x89: {  	s3 =	sld [smem:$0x3FFE];
	_ =	sdelay $0x1  }
0x8a: {  	s1 =	srdreg.scid  }
0x8b: {  	s0 =	sand.u32 $0x1, s1  }
0x8c: {  	s17 =	sshll.u32 s0, $0xA;
	s2 =	sadd.s32 s3, s2  }
0x8d: {  	s2 =	sadd.s32 s2, s17  }
0x8e: {  	[smem:$0x3FC3] =	sst s2  }
0x8f: {  	_ = 	snop  }
0x90: {  	s2 =	sld [smem:$0x3FC7]  }
0x91: {  	s18 =	sld [smem:$0x3FC5];
	(tm) =	ssettm $0x1  }
0x92: {  	s4 =	sld [smem:$0x3FFB];
	_ =	sdelay $0x3  }
0x93: {  	_ =	strace s4  }
0x94: {  	s4 =	sld [smem:$0x3FFC];
	_ =	sdelay $0x3  }
0x95: {  	_ =	strace s4  }
0x96: {  	s4 =	sld [smem:$0x3FFD];
	_ =	sdelay $0x3  }
0x97: {  	_ =	strace s4  }
0x98: {  	_ =	strace $0x8FFFFFFF  }
0x99: {  	s19 =	sld [smem:$0x3FDB];
	_ =	sdelay $0x1  }
0x9a: {  	s5 =	simm.s32 $_scs_section_size  }
0x9b: {  	s6 =	simm.s32 $_size__tile_overlayer_lowered;
	s7 =	simm.s32 $_tile_overlayer_lowered  }
0x9c: {  	s22 =	simm.s32 $0x1BFF;
	s21 =	sshll.u32 s7, $0x1;
	s4 =	sadd.s32 s5, s19  }
0x9d: {  	s8 =	simm.s32 $0x0;
	s20 =	sshll.u32 s6, $0x1;
	s6 =	sadd.s32 s21, s4  }
0x9e: {  	[timem:s8], [sflag:s22] =	dma.local [hbm:s6], s20  }
0x9f: {  	_ =	swait.ge [sflag:s22], s20  }
0xa0: {  	s5 =	ssub.s32 $0x0, s20;
	[sflag:s22] =	ssyncset.done $0x0  }
0xa1: {  	[sflag:s22] =	ssyncadd.s32 s5;
	_ =	sdelay $0x1  }
0xa2: {  	s23 =	simm.s32 $0x1B8B  }
0xa3: {  	_ =	swait.ge [sflag:s23], $0x1  }
0xa4: {  	[sflag:s23] =	ssyncset.done $0x0  }
0xa5: {  	s25 =	simm.s32 $0x1B8E;
	s24 =	sld [smem:$0x3FFE];
	[sflag:s23] =	ssyncadd.s32 $0xFFFFFFFF  }
0xa6: {  	s26 =	simm.s32 $execute0_lowered;
	[smem:$0x3FD2] =	sst s25  }
0xa7: {  	s6 =	sshll.u32 s26, $0x1;
	_ =	strace $0x80000046;
	[dreg:$0x1] =	wrdreg $0xFFFFFFFF  }
0xa8: {  	s28 =	simm.s32 $_size_execute0_lowered;
	s4 =	sadd.s32 s4, s6;
	[dreg:$0x0] =	wrdreg $0x0  }
0xa9: {  	s6 =	sshll.u32 s28, $0x1;
	[dreg:$0x2] =	wrdreg s4  }
0xaa: {  	[dreg:$0x3] =	wrdreg s6  }
0xab: {  	[dreg:$0x4] =	wrdreg $0xC0  }
0xac: {  	_ =	task [dreg:s8], $0x5FFFF  }
0xad: {  	[dreg:$0x1] =	wrdreg $0xFFFFFFFF  }
0xae: {  	[dreg:$0x0] =	wrdreg $0x60  }
0xaf: {  	[dreg:$0x2] =	wrdreg s24  }
0xb0: {  	[dreg:$0x3] =	wrdreg s2  }
0xb1: {  	[dreg:$0x4] =	wrdreg s18  }
0xb2: {  	[dreg:$0x5] =	wrdreg $0x9  }
0xb3: {  	_ =	task.clear_ibuf [dreg:s8], $0x6FFFF;
	_ =	strace $0x90000046  }
0xb4: {  	s29 =	simm.s32 $0x9;
	_ =	strace $0x80000048  }
0xb5: {  	_ =	swait.ge [sflag:s29], $0x1  }
0xb6: {  	[sflag:s29] =	ssyncadd.s32 $0xFFFFFFFF  }
0xb7: {  	_ =	strace $0x90000048  }
0xb8: {  	_ =	sfence  }
0xb9: {  	s30 =	sld [smem:$0x0];
	_ =	sdelay $0x2  }
0xba: {  	s31 =	sshll.u32 s1, $0xD;
	s1 =	sshrl.u32 s1, $0x2  }
0xbb: {  	s3 =	sand.u32 $0x4000, s31;
	s1 =	sadd.s32 s1, s30  }
0xbc: {  	s0 =	sor.u32 s3, s0;
	s1 =	sshll.u32 s1, $0x11  }
0xbd: {  	s0 =	sor.u32 s1, s0  }
0xbe: {  	s0 =	sadd.s32 $0x8F2B, s0  }
0xbf: {  	[sflag:s0] =	ssyncadd.remote.s32 $0x1  }
0xc0: {  	_ =	sfence.sel $0xFFFF  }
0xc1: {  	[dreg:$0x0] =	wrdreg $0xFFFFFFFF;
	(pc) =	sbr.abs _section_cstart, $3  }
0xc2: {  	[dreg:$0x1] =	wrdreg $0xFFFFFFFF  }
0xc3: {  	_ =	task.clear_ibuf [dreg:s8], $0x2FFFF;
	_ =	strace $0x9FFFFFFF  }
0xc4: {  	(tm) =	ssettm $0x7FFFFFFF  }
0xc5: {  	_ =	shalt  }
tec
execute0_lowered:
.L_overlay_start_1:
0x0: {  	(tag) =	ssettag $0x1  }
0x1: {  	s7 =	rddreg [dreg:$0x0]  }
0x2: {  	s8 =	rddreg [dreg:$0x1]  }
0x3: {  	s1 =	rddreg [dreg:$0x2]  }
0x4: {  	s0 =	rddreg [dreg:$0x3];
	s3 =	simm.s32 $0x0  }
0x5: {  	s4 =	srdreg.scid;
	s2 =	stileid.u32;
	s14 =	simm.s32 $0x100  }
0x6: {  	s15 =	simm.s32 $0x1180;
	s16 =	simm.s32 $0x2180;
	s17 =	simm.s32 $0x1  }
0x7: {  	s18 =	simm.s32 $0x2;
	s19 =	simm.s32 $0x3180;
	s20 =	simm.s32 $0x0  }
0x8: {  	[smem:$0x7FF] =	sst s3;
	s9 =	sand.u32 $0x1, s4;
	s4 =	sadd.s32 $0x1313000, s7  }
0x9: {  	s6 =	sshll.u32 s2, $0x1;
	s5 =	sadd.s32 $0xF42600, s7;
	_ =	strace $0x80000047  }
0xa: {  	s10 =	sor.u32 s9, s6;
	s6 =	sadd.s32 $0x200, s7;
	s9 =	ssub.s32 $0x2, s9  }
0xb: {  	v0 =	vlaneseq.u32;
	s11 =	sshll.u32 s10, $0x1;
	s31 =	sshrl.u32 s9, $0x1;
	s12 =	sshll.u32 s10, $0x4  }
0xc: {  	v0 =	vmul.u32 $0x20, v0;
	s11 =	sadd.s32 s11, s7;
	s13 =	ssub.s32 s9, s31;
	s7 =	sadd.s32 s8, s12  }
0xd: {  	s8 =	smul.u32 $0xA00, s10;
	s12 =	simm.s32 $0x80;
	s9 =	sadd.s32 $0x2A00, s11  }
0xe: {  	[tilespmem:$0x1FFF0] =	vst v0;
	s10 =	smax.u32 s13, $0x1;
	s11 =	simm.s32 $0x3;
	s13 =	simm.s32 $0x180  }
.LBB2_1:
0xf: {  	[tilespmem:s3], [sflag:$0x3] =	stream.linear.gather [hbm4b:s7+s3], $0x80, $0x38;
	[tilespmem:$0x3190] =	vst v63  }
0x10: {  	_ =	swait.ge [sflag:s11], $0x80  }
0x11: {  	[sflag:s11] =	ssyncset.done $0x0  }
0x12: {  	[sflag:s11] =	ssyncadd.s32 $0xFFFFFF80  }
0x13: {  	[tilespmem:s13], [sflag:$0x3] =	stream.indirect.gather [hbm4b:s4+s12], $0x20, s3, s12, $0xb8;
	[tilespmem:$0x3190] =	vst v63  }
0x14: {  	_ =	swait.ge [sflag:s11], $0x1000  }
0x15: {  	v0 =	vimm.f32 $0.0e+00;
	[sflag:s11] =	ssyncset.done $0x0  }
0x16: {  	s21 =	simm.s32 $0x0;
	[tilespmem:$0x1FFE0] =	vst v0;
	[sflag:s11] =	ssyncadd.s32 $0xFFFFF000  }
.LBB2_2:
0x17: {  	s22 =	sshll.u32 s21, $0x7  }
0x18: {  	s23 =	sadd.s32 s8, s22  }
0x19: {  	s24 =	sshrl.u32 s23, $0x3  }
0x1a: {  	s31 =	simm.s32 $0x0;
	s25 =	sadd.s32 s6, s24  }
0x1b: {  	[tilespmem:s12], [sflag:$0x3] =	stream.linear.gather [hbm4b:s25+s31], $0x80, $0x38;
	[tilespmem:$0x3190] =	vst v63  }
0x1c: {  	_ =	swait.ge [sflag:s11], $0x80  }
0x1d: {  	[sflag:s11] =	ssyncset.done $0x0  }
0x1e: {  	s24 =	sadd.s32 s1, s24;
	[sflag:s11] =	ssyncadd.s32 $0xFFFFFF80  }
0x1f: {  	[tilespmem:s14], [sflag:$0x3] =	stream.linear.gather [hbm4b:s24+s31], $0x80, $0x38;
	[tilespmem:$0x3190] =	vst v63  }
0x20: {  	_ =	swait.ge [sflag:s11], $0x80  }
0x21: {  	[sflag:s11] =	ssyncset.done $0x0  }
0x22: {  	[sflag:s11] =	ssyncadd.s32 $0xFFFFFF80  }
0x23: {  	[tilespmem:s15], [sflag:$0x1] =	stream.indirect.gather [hbm4b:s5+s12], $0x20, s12, s12, $0xb8;
	[tilespmem:$0x3190] =	vst v63  }
0x24: {  	_ = 	snop  }
0x25: {  	[tilespmem:s16], [sflag:$0x2] =	stream.indirect.gather [hbm4b:s5+s12], $0x20, s14, s12, $0xb8;
	[tilespmem:$0x3190] =	vst v63  }
0x26: {  	_ =	swait.ge [sflag:s17], $0x1000  }
0x27: {  	v1 =	vld [tilespmem:$0x1FFF0];
	_ =	sdelay $0x2  }
0x28: {  	v0 =	vmov s31  }
0x29: {  	v0 =	vshll.u32 v0, $0x5  }
0x2a: {  	v2 =	vor.u32 v1, v0  }
0x2b: {  	[sflag:s17] =	ssyncset.done $0x0;
	v0 =	vor.u32 $0x1F, v2  }
0x2c: {  	[sflag:s17] =	ssyncadd.s32 $0xFFFFF000  }
0x2d: {  	_ =	swait.ge [sflag:s18], $0x1000  }
0x2e: {  	[sflag:s18] =	ssyncset.done $0x0  }
0x2f: {  	[sflag:s18] =	ssyncadd.s32 $0xFFFFF000;
	v3 =	vor.u32 $0x1D, v2  }
0x30: {  	v23 =	vld.idx.msk [tilespmem:v0+s15+$0x0], $0xffff  }
0x31: {  	v31 =	vld.idx.msk [tilespmem:v0+s16+$0x0], $0xffff;
	v0 =	vor.u32 $0x1A, v2;
	_ =	sdelay $0x2  }
0x32: {  	v1 =	vor.u32 $0x1E, v2;
	v32 =	vld.idx.msk [tilespmem:v3+s15+$0x0], $0xffff  }
0x33: {  	v29 =	vld.idx.msk [tilespmem:v3+s16+$0x0], $0xffff;
	v3 =	vor.u32 $0x18, v2  }
0x34: {  	v47 =	vld.idx.msk [tilespmem:v0+s15+$0x0], $0xffff  }
0x35: {  	v50 =	vld.idx.msk [tilespmem:v0+s16+$0x0], $0xffff;
	v0 =	vor.u32 $0x15, v2;
	_ =	sdelay $0x1  }
0x36: {  	v7 =	vor.u32 $0x10, v2;
	v27 =	vld.idx.msk [tilespmem:v1+s15+$0x0], $0xffff  }
0x37: {  	v57 =	vld.idx.msk [tilespmem:v3+s15+$0x0], $0xffff  }
0x38: {  	v4 =	vor.u32 $0x1C, v2;
	v60 =	vld.idx.msk [tilespmem:v3+s16+$0x0], $0xffff  }
0x39: {  	v3 =	vld.idx.msk [tilespmem:v0+s15+$0x0], $0xffff  }
0x3a: {  	v28 =	vld.idx.msk [tilespmem:v0+s16+$0x0], $0xffff;
	v0 =	vlaneseq.u32  }
0x3b: {  	v19 =	vld.idx.msk [tilespmem:v7+s15+$0x0], $0xffff;
	v0 =	vor.u32 s22, v0  }
0x3c: {  	v21 =	vld.idx.msk [tilespmem:v7+s16+$0x0], $0xffff;
	[tilespmem:$0x1FB40] =	vst v0;
	v7 =	vor.u32 s31, v0;
	v0 =	vmul.f32 v23, v23  }
0x3d: {  	v41 =	vld.idx.msk [tilespmem:v4+s15+$0x0], $0xffff  }
0x3e: {  	v45 =	vld.idx.msk [tilespmem:v4+s16+$0x0], $0xffff;
	v4 =	vor.u32 $0x17, v2;
	[tilespmem:$0x1FB60] =	vst v0;
	v0 =	vmul.f32 v27, v27  }
0x3f: {  	v38 =	vld.idx.msk [tilespmem:v1+s16+$0x0], $0xffff  }
0x40: {  	v5 =	vor.u32 $0x1B, v2;
	[tilespmem:$0x1FB80] =	vst v0;
	v0 =	vmul.f32 v31, v31;
	_ =	sdelay $0x1  }
0x41: {  	[tilespmem:$0x1FBA0] =	vst v0;
	v0 =	vmul.f32 v32, v32  }
0x42: {  	v55 =	vld.idx.msk [tilespmem:v4+s15+$0x0], $0xffff  }
0x43: {  	v63 =	vld.idx.msk [tilespmem:v4+s16+$0x0], $0xffff;
	v4 =	vor.u32 $0x12, v2;
	[tilespmem:$0x1FBC0] =	vst v0;
	v0 =	vmul.f32 v38, v38  }
0x44: {  	v44 =	vld.idx.msk [tilespmem:v5+s15+$0x0], $0xffff  }
0x45: {  	[tilespmem:$0x1FBE0] =	vst v0;
	v0 =	vmul.f32 v41, v41;
	_ =	sdelay $0x1  }
0x46: {  	[tilespmem:$0x1FC00] =	vst v0;
	v0 =	vmul.f32 v29, v29  }
0x47: {  	v1 =	vor.u32 $0x19, v2;
	v56 =	vld.idx.msk [tilespmem:v4+s15+$0x0], $0xffff  }
0x48: {  	v18 =	vld.idx.msk [tilespmem:v4+s16+$0x0], $0xffff;
	v4 =	vor.u32 $0xD, v2;
	[tilespmem:$0x1FC20] =	vst v0;
	v0 =	vmul.f32 v44, v44  }
0x49: {  	v34 =	vld.idx.msk [tilespmem:v5+s16+$0x0], $0xffff  }
0x4a: {  	[tilespmem:$0x1FC30] =	vst v0;
	v0 =	vmul.f32 v45, v45;
	_ =	sdelay $0x1  }
0x4b: {  	v49 =	vld.idx.msk [tilespmem:v1+s15+$0x0], $0xffff;
	v7 =	vmulhi.u32 $0xCCCCCCCD, v7;
	[tilespmem:$0x1FC50] =	vst v0;
	v0 =	vmul.f32 v47, v47  }
0x4c: {  	v61 =	vld.idx.msk [tilespmem:v4+s15+$0x0], $0xffff  }
0x4d: {  	v24 =	vld.idx.msk [tilespmem:v4+s16+$0x0], $0xffff;
	v4 =	vshrl.u32 v7, $0x4;
	[tilespmem:$0x1FC60] =	vst v0;
	v0 =	vmul.f32 v34, v34  }
0x4e: {  	[tilespmem:$0x1FC10] =	vst v29;
	v29 =	vshll.u32 v4, $0x5  }
0x4f: {  	[tilespmem:$0x1FC70] =	vst v0;
	v0 =	vor.u32 $0x1F, v29  }
0x50: {  	[tilespmem:$0x1FC80] =	vst v0;
	v0 =	vmul.f32 v49, v49;
	_ =	sdelay $0x1  }
0x51: {  	v53 =	vld.idx.msk [tilespmem:v1+s16+$0x0], $0xffff;
	[tilespmem:$0x1FC90] =	vst v0;
	v0 =	vmul.f32 v50, v50  }
0x52: {  	[tilespmem:$0x1FB50] =	vst v23  }
0x53: {  	[tilespmem:$0x1FCA0] =	vst v0;
	v0 =	vor.u32 $0x1E, v29  }
0x54: {  	[tilespmem:$0x1FCB0] =	vst v0;
	v0 =	vmul.f32 v57, v57  }
0x55: {  	[tilespmem:$0x1FB70] =	vst v27  }
0x56: {  	[tilespmem:$0x1FCC0] =	vst v0;
	v0 =	vmul.f32 v53, v53  }
0x57: {  	[tilespmem:$0x1FB90] =	vst v31  }
0x58: {  	[tilespmem:$0x1FCD0] =	vst v0;
	v0 =	vor.u32 $0x1D, v29  }
0x59: {  	v5 =	vor.u32 $0x16, v2;
	[tilespmem:$0x1FCE0] =	vst v0;
	v0 =	vmul.f32 v55, v55  }
0x5a: {  	v6 =	vor.u32 $0x13, v2;
	[tilespmem:$0x1FBB0] =	vst v32  }
0x5b: {  	v1 =	vor.u32 $0x14, v2;
	[tilespmem:$0x1FCF0] =	vst v0;
	v0 =	vmul.f32 v60, v60  }
0x5c: {  	[tilespmem:$0x1FBD0] =	vst v38  }
0x5d: {  	[tilespmem:$0x1FD00] =	vst v0;
	v0 =	vor.u32 $0x1C, v29  }
0x5e: {  	v14 =	vld.idx.msk [tilespmem:v5+s16+$0x0], $0xffff;
	[tilespmem:$0x1FD10] =	vst v0;
	v0 =	vmul.f32 v63, v63  }
0x5f: {  	v15 =	vld.idx.msk [tilespmem:v6+s15+$0x0], $0xffff;
	[tilespmem:$0x1FBF0] =	vst v41  }
0x60: {  	v43 =	vld.idx.msk [tilespmem:v1+s15+$0x0], $0xffff;
	[tilespmem:$0x1FD20] =	vst v0;
	v0 =	vor.u32 $0x1B, v29  }
0x61: {  	[tilespmem:$0x1FD30] =	vst v0;
	v0 =	vmul.f32 v3, v3  }
0x62: {  	v16 =	vld.idx.msk [tilespmem:v6+s16+$0x0], $0xffff;
	[tilespmem:$0x1FC40] =	vst v45  }
0x63: {  	[tilespmem:$0x1FD50] =	vst v0;
	v0 =	vmul.f32 v14, v14  }
0x64: {  	[tilespmem:$0x1FDC0] =	vst v15  }
0x65: {  	v7 =	vmov v28;
	v28 =	vmov v43;
	[tilespmem:$0x1FD70] =	vst v0;
	v0 =	vor.u32 $0x1A, v29  }
0x66: {  	[tilespmem:$0x1FD80] =	vst v0;
	v0 =	vmul.f32 v28, v28  }
0x67: {  	v6 =	vor.u32 $0xE, v2;
	[tilespmem:$0x1FE30] =	vst v16  }
0x68: {  	v51 =	vld.idx.msk [tilespmem:v1+s16+$0x0], $0xffff;
	[tilespmem:$0x1FD90] =	vst v0;
	v0 =	vmul.f32 v7, v7  }
0x69: {  	[tilespmem:$0x1FEB0] =	vst v19  }
0x6a: {  	[tilespmem:$0x1FDA0] =	vst v0;
	v0 =	vor.u32 $0x19, v29  }
0x6b: {  	v62 =	vld.idx.msk [tilespmem:v5+s15+$0x0], $0xffff;
	v5 =	vor.u32 $0x11, v2;
	[tilespmem:$0x1FDB0] =	vst v0;
	v0 =	vmul.f32 v15, v15  }
0x6c: {  	v52 =	vld.idx.msk [tilespmem:v6+s15+$0x0], $0xffff;
	[tilespmem:$0x1FF10] =	vst v21  }
0x6d: {  	[tilespmem:$0x1FDD0] =	vst v0;
	v0 =	vmul.f32 v51, v51  }
0x6e: {  	v54 =	vld.idx.msk [tilespmem:v6+s16+$0x0], $0xffff;
	[tilespmem:$0x1FD60] =	vst v14  }
0x6f: {  	[tilespmem:$0x1FDF0] =	vst v0;
	v0 =	vor.u32 $0x18, v29  }
0x70: {  	v17 =	vld.idx.msk [tilespmem:v5+s15+$0x0], $0xffff;
	[tilespmem:$0x1FE00] =	vst v0;
	v0 =	vmul.f32 v56, v56  }
0x71: {  	v8 =	vor.u32 $0xB, v2;
	[tilespmem:$0x1FF30] =	vst v52  }
0x72: {  	[tilespmem:$0x1FE20] =	vst v0;
	v0 =	vmul.f32 v16, v16  }
0x73: {  	[tilespmem:$0x1FF90] =	vst v54  }
0x74: {  	v37 =	vld.idx.msk [tilespmem:v2+s15+$0x0], $0xffff;
	v1 =	vor.u32 $0xF, v2;
	[tilespmem:$0x1FE40] =	vst v0;
	v0 =	vor.u32 $0x17, v29  }
0x75: {  	v13 =	vor.u32 $0x8, v2;
	v40 =	vld.idx.msk [tilespmem:v2+s16+$0x0], $0xffff;
	[tilespmem:$0x1FE50] =	vst v0;
	v0 =	vmul.f32 v17, v17  }
0x76: {  	v26 =	vld.idx.msk [tilespmem:v8+s15+$0x0], $0xffff;
	v6 =	vor.u32 $0x4, v2;
	[tilespmem:$0x1FD40] =	vst v3  }
0x77: {  	v20 =	vld.idx.msk [tilespmem:v5+s16+$0x0], $0xffff;
	[tilespmem:$0x1FE70] =	vst v0;
	v0 =	vmul.f32 v18, v18  }
0x78: {  	v8 =	vld.idx.msk [tilespmem:v8+s16+$0x0], $0xffff;
	[tilespmem:$0x1FDE0] =	vst v51  }
0x79: {  	v5 =	vor.u32 $0xC, v2;
	v30 =	vld.idx.msk [tilespmem:v1+s15+$0x0], $0xffff;
	[tilespmem:$0x1FE90] =	vst v0;
	v0 =	vor.u32 $0x16, v29  }
0x7a: {  	v36 =	vld.idx.msk [tilespmem:v13+s16+$0x0], $0xffff;
	[tilespmem:$0x1FEA0] =	vst v0;
	v0 =	vmul.f32 v19, v19  }
0x7b: {  	v12 =	vor.u32 $0x7, v2;
	v58 =	vld.idx.msk [tilespmem:v6+s15+$0x0], $0xffff;
	[tilespmem:$0x1FE10] =	vst v56  }
0x7c: {  	v9 =	vor.u32 $0xA, v2;
	v59 =	vld.idx.msk [tilespmem:v6+s16+$0x0], $0xffff;
	[tilespmem:$0x1FEC0] =	vst v0;
	v0 =	vmul.f32 v20, v20  }
0x7d: {  	v48 =	vld.idx.msk [tilespmem:v1+s16+$0x0], $0xffff;
	[tilespmem:$0x1FE60] =	vst v17  }
0x7e: {  	v25 =	vld.idx.msk [tilespmem:v5+s15+$0x0], $0xffff;
	[tilespmem:$0x1FEE0] =	vst v0;
	v0 =	vmul.f32 v30, v30  }
0x7f: {  	v10 =	vor.u32 $0x9, v2;
	v5 =	vld.idx.msk [tilespmem:v5+s16+$0x0], $0xffff;
	[tilespmem:$0x1FE80] =	vst v18  }
0x80: {  	v43 =	vld.idx.msk [tilespmem:v12+s15+$0x0], $0xffff;
	[tilespmem:$0x1FF00] =	vst v0;
	v0 =	vmul.f32 v21, v21  }
0x81: {  	[tilespmem:$0x1FED0] =	vst v20;
	v32 =	vld.idx.msk [tilespmem:v9+s15+$0x0], $0xffff  }
0x82: {  	v11 =	vor.u32 $0x6, v2;
	v38 =	vld.idx.msk [tilespmem:v13+s15+$0x0], $0xffff;
	[tilespmem:$0x1FF20] =	vst v0;
	v0 =	vmul.f32 v52, v52  }
0x83: {  	v22 =	vor.u32 $0x5, v2;
	[tilespmem:$0x1FEF0] =	vst v30;
	v4 =	vmov v8;
	v8 =	vld.idx.msk [tilespmem:v9+s16+$0x0], $0xffff  }
0x84: {  	v9 =	vld.idx.msk [tilespmem:v10+s16+$0x0], $0xffff;
	[tilespmem:$0x1FF40] =	vst v0;
	v0 =	vmul.f32 v48, v48  }
0x85: {  	v39 =	vor.u32 $0x2, v2;
	v42 =	vmov v44;
	[tilespmem:$0x1FF50] =	vst v48;
	v44 =	vld.idx.msk [tilespmem:v12+s16+$0x0], $0xffff  }
0x86: {  	v45 =	vld.idx.msk [tilespmem:v10+s15+$0x0], $0xffff;
	[tilespmem:$0x1FF60] =	vst v0;
	v0 =	vmul.f32 v61, v61  }
0x87: {  	v33 =	vmul.f32 v37, v37;
	v46 =	vmovc v47;
	v1 =	vor.u32 $0x3, v2;
	[tilespmem:$0x1FF70] =	vst v61;
	v47 =	vmov v50;
	v50 =	vld.idx.msk [tilespmem:v11+s15+$0x0], $0xffff  }
0x88: {  	v41 =	vmov v49;
	v49 =	vmov v57;
	v57 =	vld.idx.msk [tilespmem:v22+s16+$0x0], $0xffff;
	[tilespmem:$0x1FF80] =	vst v0;
	v0 =	vmul.f32 v25, v25  }
0x89: {  	v35 =	vmul.f32 v40, v40;
	v54 =	vmul.f32 v54, v54;
	[tilespmem:$0x1FFA0] =	vst v25;
	v51 =	vld.idx.msk [tilespmem:v11+s16+$0x0], $0xffff  }
0x8a: {  	v23 =	vmul.f32 v62, v62;
	v11 =	vld.idx.msk [tilespmem:v39+s15+$0x0], $0xffff;
	[tilespmem:$0x1FFB0] =	vst v0;
	v0 =	vmul.f32 v24, v24  }
0x8b: {  	v2 =	vor.u32 $0x1, v2;
	[tilespmem:$0x1FFC0] =	vst v24;
	v27 =	vor.u32 $0x15, v29;
	v31 =	vor.u32 $0x11, v29;
	v56 =	vld.idx.msk [tilespmem:v22+s15+$0x0], $0xffff  }
0x8c: {  	s22 =	simm.s32 $0x10;
	v6 =	vmovc v5;
	v5 =	vmovc v9;
	v30 =	vor.u32 $0x14, v29;
	v52 =	vor.u32 $0x13, v29;
	v48 =	vld.idx.msk [tilespmem:v1+s15+$0x0], $0xffff;
	v61 =	vor.u32 $0x12, v29;
	[tilespmem:$0x1FFD0] =	vst v0  }
.LBB2_3:
0x8d: {  	[tilespmem:$0x1FA10] =	vst v52  }
0x8e: {  	[tilespmem:$0x1FAF0] =	vst v47;
	v0 =	vmul.f32 v26, v26  }
0x8f: {  	[tilespmem:$0x1FAC0] =	vst v55  }
0x90: {  	[tilespmem:$0x1F9F0] =	vst v0;
	v0 =	vmul.f32 v6, v6  }
0x91: {  	[tilespmem:$0x1FAD0] =	vst v53;
	v53 =	vld.idx.msk [tilespmem:v2+s15+$0x0], $0xffff  }
0x92: {  	v55 =	vld.idx.msk [tilespmem:v2+s16+$0x0], $0xffff;
	[tilespmem:$0x1F9D0] =	vst v0;
	v0 =	vor.u32 $0x10, v29  }
0x93: {  	v47 =	vor.u32 $0x1, v29;
	v52 =	vmov v32;
	[tilespmem:$0x1F9E0] =	vst v0;
	v0 =	vmul.f32 v32, v32;
	v32 =	vld.idx.msk [tilespmem:v27+s13+$0x0], $0xffff  }
0x94: {  	v14 =	vld.idx.msk [tilespmem:v1+s16+$0x0], $0xffff  }
0x95: {  	[tilespmem:$0x1FA40] =	vst v6;
	v15 =	vld.idx.msk [tilespmem:v39+s16+$0x0], $0xffff  }
0x96: {  	[tilespmem:$0x1FAE0] =	vst v49;
	v18 =	vld.idx.msk [tilespmem:v29+s13+$0x0], $0xffff  }
0x97: {  	[tilespmem:$0x1FB00] =	vst v41;
	v1 =	vld.idx.msk [tilespmem:v30+s13+$0x0], $0xffff;
	v25 =	vmul.f32 v53, v53  }
0x98: {  	[tilespmem:$0x1FAB0] =	vst v60;
	v60 =	vld.idx.msk [tilespmem:v47+s13+$0x0], $0xffff;
	v47 =	vmul.f32 v55, v55;
	v7 =	vmul.f32 v32, v7  }
0x99: {  	v30 =	vld.idx.msk [tilespmem:v61+s13+$0x0], $0xffff;
	[tilespmem:$0x1FA50] =	vst v23;
	v23 =	vmov v31  }
0x9a: {  	v31 =	vmul.f32 v15, v15;
	v25 =	vadd.f32 v25, v33;
	v33 =	vadd.f32 v47, v35;
	[tilespmem:$0x1FA70] =	vst v7;
	v7 =	vld [tilespmem:$0x1FE10]  }
0x9b: {  	[tilespmem:$0x1FAA0] =	vst v62;
	v49 =	vmovc v40;
	v10 =	vor.u32 $0xE, v29;
	v17 =	vor.u32 $0x3, v29;
	v24 =	vmul.f32 v14, v14  }
0x9c: {  	[tilespmem:$0x1FB20] =	vst v46;
	v41 =	vmul.f32 v18, v37;
	v49 =	vmul.f32 v18, v49;
	v31 =	vadd.f32 v31, v33  }
0x9d: {  	v21 =	vor.u32 $0x2, v29;
	[tilespmem:$0x1FA00] =	vst v54;
	v6 =	vmul.f32 v18, v18;
	v18 =	vmul.f32 v1, v28  }
0x9e: {  	v54 =	vmovc v38;
	v2 =	vmul.f32 v38, v38;
	v38 =	vmul.f32 v59, v59;
	v24 =	vadd.f32 v24, v31  }
0x9f: {  	v19 =	vor.u32 $0xD, v29;
	v9 =	vor.u32 $0xB, v29;
	[tilespmem:$0x1FA80] =	vst v18;
	v18 =	vmul.f32 v30, v7;
	v7 =	vld [tilespmem:$0x1FDE0]  }
0xa0: {  	[tilespmem:$0x1FB30] =	vst v42;
	v16 =	vor.u32 $0xA, v29;
	v22 =	vmul.f32 v57, v57;
	v24 =	vadd.f32 v38, v24  }
0xa1: {  	v46 =	vor.u32 $0x4, v29;
	v40 =	vmovc v26;
	v13 =	vmul.f32 v5, v5;
	[tilespmem:$0x1F9C0] =	vst v0;
	v0 =	vmul.f32 v4, v4  }
0xa2: {  	v62 =	vmul.f32 v36, v36;
	v3 =	vmul.f32 v51, v51;
	v61 =	vld.idx.msk [tilespmem:v17+s13+$0x0], $0xffff;
	v22 =	vadd.f32 v22, v24  }
0xa3: {  	v12 =	vmovc v36;
	v36 =	vmul.f32 v58, v58;
	v26 =	vld.idx.msk [tilespmem:v21+s13+$0x0], $0xffff;
	v21 =	vor.u32 $0x5, v29;
	[tilespmem:$0x1F9A0] =	vst v0;
	v0 =	vor.u32 $0xF, v29  }
0xa4: {  	[tilespmem:$0x1F9B0] =	vst v0;
	v0 =	vmul.f32 v44, v44;
	v3 =	vadd.f32 v3, v22;
	v7 =	vmul.f32 v1, v7  }
0xa5: {  	[tilespmem:$0x1FA20] =	vst v8;
	v42 =	vmul.f32 v11, v11;
	v37 =	vor.u32 $0x8, v29;
	v28 =	vor.u32 $0x6, v29  }
0xa6: {  	v27 =	vmovc v5;
	v5 =	vor.u32 $0x9, v29;
	v0 =	vadd.f32 v0, v3;
	[tilespmem:$0x1FA60] =	vst v7;
	v7 =	vmul.f32 v60, v60  }
0xa7: {  	[tilespmem:$0x1FA30] =	vst v4;
	v46 =	vld.idx.msk [tilespmem:v46+s13+$0x0], $0xffff;
	v4 =	vmul.f32 v8, v8;
	v8 =	vor.u32 $0xC, v29;
	v29 =	vor.u32 $0x7, v29  }
0xa8: {  	v0 =	vadd.f32 v62, v0;
	v6 =	vadd.f32 v7, v6;
	v7 =	vmul.f32 v26, v26  }
0xa9: {  	v17 =	vmul.f32 v48, v48;
	v35 =	vadd.f32 $0.0e+00, v41;
	v48 =	vmul.f32 v61, v48;
	v21 =	vld.idx.msk [tilespmem:v21+s13+$0x0], $0xffff  }
0xaa: {  	v0 =	vadd.f32 v13, v0;
	v6 =	vadd.f32 v7, v6;
	v7 =	vmul.f32 v61, v61  }
0xab: {  	v49 =	vadd.f32 $0.0e+00, v49;
	v53 =	vmul.f32 v60, v53;
	v55 =	vmul.f32 v60, v55;
	v28 =	vld.idx.msk [tilespmem:v28+s13+$0x0], $0xffff  }
0xac: {  	v0 =	vadd.f32 v4, v0;
	v4 =	vld [tilespmem:$0x1F9A0];
	v6 =	vadd.f32 v7, v6;
	v7 =	vmul.f32 v46, v46  }
0xad: {  	v25 =	vadd.f32 v42, v25;
	v11 =	vmul.f32 v26, v11;
	v15 =	vmul.f32 v26, v15;
	v31 =	vld.idx.msk [tilespmem:v29+s13+$0x0], $0xffff  }
0xae: {  	v60 =	vadd.f32 v53, v35;
	v6 =	vadd.f32 v7, v6;
	v7 =	vmul.f32 v21, v21  }
0xaf: {  	v14 =	vmul.f32 v61, v14;
	v17 =	vadd.f32 v17, v25;
	v42 =	vadd.f32 v55, v49  }
0xb0: {  	v11 =	vadd.f32 v11, v60;
	v6 =	vadd.f32 v7, v6;
	v7 =	vmul.f32 v28, v28  }
0xb1: {  	v47 =	vmul.f32 v46, v58;
	v15 =	vadd.f32 v15, v42;
	v24 =	vld.idx.msk [tilespmem:v5+s13+$0x0], $0xffff;
	v0 =	vadd.f32 v4, v0  }
0xb2: {  	v4 =	vld [tilespmem:$0x1F9B0];
	v5 =	vadd.f32 v48, v11;
	v6 =	vadd.f32 v7, v6;
	v7 =	vmul.f32 v31, v31  }
0xb3: {  	v49 =	vmul.f32 v46, v59;
	v17 =	vadd.f32 v36, v17;
	v11 =	vadd.f32 v14, v15  }
0xb4: {  	v20 =	vmul.f32 v56, v56;
	v5 =	vadd.f32 v47, v5;
	v3 =	vadd.f32 v7, v6  }
0xb5: {  	v7 =	vadd.f32 v49, v11;
	v11 =	vmul.f32 v21, v56;
	v56 =	vld.idx.msk [tilespmem:v8+s13+$0x0], $0xffff;
	v8 =	vmul.f32 v21, v57  }
0xb6: {  	[tilespmem:$0x1FA90] =	vst v63;
	v63 =	vmul.f32 v50, v50;
	v53 =	vadd.f32 v20, v17  }
0xb7: {  	v5 =	vadd.f32 v11, v5;
	v7 =	vadd.f32 v8, v7;
	v8 =	vmul.f32 v28, v50  }
0xb8: {  	[tilespmem:$0x1FB10] =	vst v34;
	v34 =	vmul.f32 v43, v43;
	v55 =	vadd.f32 v63, v53  }
0xb9: {  	v5 =	vadd.f32 v8, v5;
	v8 =	vmul.f32 v28, v51  }
0xba: {  	v29 =	vld.idx.msk [tilespmem:v4+s13+$0x0], $0xffff;
	v11 =	vadd.f32 v34, v55  }
0xbb: {  	v4 =	vmul.f32 v31, v43;
	v7 =	vadd.f32 v8, v7;
	v8 =	vld [tilespmem:$0x1F9C0]  }
0xbc: {  	v39 =	vmul.f32 v45, v45;
	v2 =	vadd.f32 v2, v11  }
0xbd: {  	v5 =	vadd.f32 v4, v5;
	v4 =	vld [tilespmem:$0x1F9F0]  }
0xbe: {  	v2 =	vadd.f32 v39, v2  }
0xbf: {  	v11 =	vld [tilespmem:$0x1FFB0]  }
0xc0: {  	v8 =	vadd.f32 v8, v2;
	v2 =	vld [tilespmem:$0x1F9D0];
	_ =	sdelay $0x1  }
0xc1: {  	v8 =	vadd.f32 v4, v8;
	v4 =	vld [tilespmem:$0x1FFD0]  }
0xc2: {  	v25 =	vld.idx.msk [tilespmem:v37+s13+$0x0], $0xffff  }
0xc3: {  	v8 =	vadd.f32 v11, v8;
	v11 =	vld [tilespmem:$0x1FA00]  }
0xc4: {  	v0 =	vadd.f32 v2, v0  }
0xc5: {  	v33 =	vld.idx.msk [tilespmem:v10+s13+$0x0], $0xffff;
	v10 =	vmul.f32 v31, v44  }
0xc6: {  	v0 =	vadd.f32 v4, v0  }
0xc7: {  	v7 =	vadd.f32 v10, v7  }
0xc8: {  	v10 =	vmul.f32 v25, v54;
	v0 =	vadd.f32 v11, v0;
	v11 =	vmul.f32 v25, v12  }
0xc9: {  	v48 =	vld.idx.msk [tilespmem:v16+s13+$0x0], $0xffff  }
0xca: {  	v10 =	vadd.f32 v10, v5;
	v7 =	vadd.f32 v11, v7;
	v11 =	vmul.f32 v24, v45;
	_ =	sdelay $0x1  }
0xcb: {  	v10 =	vadd.f32 v11, v10;
	v11 =	vmul.f32 v24, v27  }
0xcc: {  	v9 =	vld.idx.msk [tilespmem:v9+s13+$0x0], $0xffff  }
0xcd: {  	v7 =	vadd.f32 v11, v7;
	v11 =	vmul.f32 v48, v52;
	_ =	sdelay $0x1  }
0xce: {  	v6 =	vmul.f32 v25, v25;
	v10 =	vadd.f32 v11, v10;
	v11 =	vld [tilespmem:$0x1FA20]  }
0xcf: {  	v41 =	vld [tilespmem:$0x1FDD0]  }
0xd0: {  	v38 =	vmul.f32 v9, v40;
	v40 =	vld [tilespmem:$0x1FA30];
	v3 =	vadd.f32 v6, v3;
	v6 =	vmul.f32 v24, v24  }
0xd1: {  	v58 =	vld.idx.msk [tilespmem:v19+s13+$0x0], $0xffff  }
0xd2: {  	v59 =	vld [tilespmem:$0x1FF40];
	v3 =	vadd.f32 v6, v3;
	v6 =	vmul.f32 v48, v48  }
0xd3: {  	v36 =	vld [tilespmem:$0x1FE40];
	v11 =	vmul.f32 v48, v11  }
0xd4: {  	v37 =	vmul.f32 v1, v1;
	v62 =	vld [tilespmem:$0x1FEE0];
	v3 =	vadd.f32 v6, v3  }
0xd5: {  	v1 =	vld [tilespmem:$0x1FE50];
	v6 =	vmul.f32 v9, v9;
	v9 =	vmul.f32 v9, v40;
	v11 =	vadd.f32 v11, v7  }
0xd6: {  	v17 =	vld [tilespmem:$0x1FE90]  }
0xd7: {  	v11 =	vadd.f32 v9, v11;
	v9 =	vld [tilespmem:$0x1FFA0]  }
0xd8: {  	v5 =	vld [tilespmem:$0x1FF80]  }
0xd9: {  	v60 =	vld [tilespmem:$0x1FF20]  }
0xda: {  	v63 =	vld [tilespmem:$0x1FEC0]  }
0xdb: {  	v61 =	vld [tilespmem:$0x1FF00]  }
0xdc: {  	v2 =	vld [tilespmem:$0x1F9E0];
	v10 =	vadd.f32 v38, v10;
	v43 =	vmul.f32 v56, v9  }
0xdd: {  	v8 =	vadd.f32 v5, v8;
	v5 =	vld [tilespmem:$0x1FF60]  }
0xde: {  	v14 =	vadd.f32 v43, v10;
	v10 =	vld [tilespmem:$0x1FA40]  }
0xdf: {  	v34 =	vld [tilespmem:$0x1FE70];
	v8 =	vadd.f32 v59, v8  }
0xe0: {  	v50 =	vld [tilespmem:$0x1FCF0]  }
0xe1: {  	v4 =	vld.idx.msk [tilespmem:v23+s13+$0x0], $0xffff;
	v8 =	vadd.f32 v61, v8  }
0xe2: {  	v3 =	vadd.f32 v6, v3;
	v6 =	vmul.f32 v56, v56;
	v0 =	vadd.f32 v5, v0;
	v7 =	vld [tilespmem:$0x1FE20]  }
0xe3: {  	v5 =	vld [tilespmem:$0x1FA10];
	v8 =	vadd.f32 v63, v8;
	v45 =	vmul.f32 v56, v10  }
0xe4: {  	v3 =	vadd.f32 v6, v3;
	v2 =	vld.idx.msk [tilespmem:v2+s13+$0x0], $0xffff;
	v0 =	vadd.f32 v60, v0  }
0xe5: {  	v6 =	vmul.f32 v58, v58;
	v8 =	vadd.f32 v34, v8;
	v15 =	vadd.f32 v45, v11;
	v11 =	vld [tilespmem:$0x1FF70]  }
0xe6: {  	v0 =	vadd.f32 v62, v0;
	v9 =	vld [tilespmem:$0x1FD90]  }
0xe7: {  	v3 =	vadd.f32 v6, v3;
	v6 =	vmul.f32 v33, v33;
	v8 =	vadd.f32 v7, v8;
	v7 =	vld [tilespmem:$0x1FDF0]  }
0xe8: {  	v0 =	vadd.f32 v17, v0;
	v10 =	vld [tilespmem:$0x1FD50]  }
0xe9: {  	v3 =	vadd.f32 v6, v3;
	v6 =	vmul.f32 v29, v29;
	v13 =	vadd.f32 v41, v8;
	v8 =	vld [tilespmem:$0x1FDA0]  }
0xea: {  	v0 =	vadd.f32 v36, v0;
	v47 =	vmul.f32 v58, v11;
	v11 =	vld [tilespmem:$0x1FA50]  }
0xeb: {  	v3 =	vadd.f32 v6, v3;
	v6 =	vmul.f32 v2, v2;
	v13 =	vadd.f32 v9, v13;
	v9 =	vld [tilespmem:$0x1FD70]  }
0xec: {  	v5 =	vld.idx.msk [tilespmem:v5+s13+$0x0], $0xffff;
	v0 =	vadd.f32 v7, v0  }
0xed: {  	v3 =	vadd.f32 v6, v3;
	v6 =	vmul.f32 v4, v4;
	v13 =	vadd.f32 v10, v13;
	v10 =	vld [tilespmem:$0x1FD20]  }
0xee: {  	v55 =	vld [tilespmem:$0x1FCC0];
	v0 =	vadd.f32 v8, v0  }
0xef: {  	v3 =	vadd.f32 v6, v3;
	v6 =	vmul.f32 v30, v30;
	v13 =	vadd.f32 v11, v13;
	v11 =	vld [tilespmem:$0x1FD00]  }
0xf0: {  	v60 =	vld [tilespmem:$0x1FC90];
	v0 =	vadd.f32 v9, v0  }
0xf1: {  	v51 =	vld [tilespmem:$0x1FCD0];
	v3 =	vadd.f32 v6, v3;
	v19 =	vmul.f32 v5, v5;
	v13 =	vadd.f32 v50, v13  }
0xf2: {  	v21 =	vld [tilespmem:$0x1FC60];
	v0 =	vadd.f32 v10, v0  }
0xf3: {  	v3 =	vadd.f32 v19, v3;
	v56 =	vld [tilespmem:$0x1FCA0];
	v19 =	vadd.f32 v55, v13  }
0xf4: {  	v49 =	vld [tilespmem:$0x1FFC0];
	v0 =	vadd.f32 v11, v0  }
0xf5: {  	v61 =	vld [tilespmem:$0x1FC70];
	v19 =	vadd.f32 v60, v19  }
0xf6: {  	v59 =	vld [tilespmem:$0x1FF90];
	v0 =	vadd.f32 v51, v0  }
0xf7: {  	v19 =	vadd.f32 v21, v19;
	v21 =	vld [tilespmem:$0x1FC50]  }
0xf8: {  	v0 =	vadd.f32 v56, v0  }
0xf9: {  	v53 =	vld [tilespmem:$0x1FCE0]  }
0xfa: {  	v16 =	vmul.f32 v58, v49;
	v54 =	vld [tilespmem:$0x1FF30];
	v0 =	vadd.f32 v61, v0  }
0xfb: {  	v6 =	vld [tilespmem:$0x1FEA0]  }
0xfc: {  	v20 =	vmul.f32 v33, v59;
	v15 =	vadd.f32 v16, v15;
	v0 =	vadd.f32 v21, v0;
	v21 =	vld [tilespmem:$0x1FC30]  }
0xfd: {  	v1 =	vld.idx.msk [tilespmem:v1+s13+$0x0], $0xffff  }
0xfe: {  	v15 =	vadd.f32 v20, v15;
	v20 =	vld [tilespmem:$0x1FEF0]  }
0xff: {  	v40 =	vld [tilespmem:$0x1FDC0]  }
0x100: {  	v7 =	vld [tilespmem:$0x1FE00]  }
0x101: {  	v16 =	vmul.f32 v33, v54;
	v14 =	vadd.f32 v47, v14;
	v19 =	vadd.f32 v21, v19;
	v21 =	vld [tilespmem:$0x1FC20]  }
0x102: {  	v12 =	vld.idx.msk [tilespmem:v53+s13+$0x0], $0xffff  }
0x103: {  	v6 =	vld.idx.msk [tilespmem:v6+s13+$0x0], $0xffff;
	v16 =	vadd.f32 v16, v14;
	v20 =	vmul.f32 v29, v20  }
0x104: {  	v8 =	vld [tilespmem:$0x1FDB0]  }
0x105: {  	v16 =	vadd.f32 v20, v16;
	v20 =	vld [tilespmem:$0x1FF50]  }
0x106: {  	v0 =	vadd.f32 v21, v0;
	v21 =	vld [tilespmem:$0x1FC00]  }
0x107: {  	v9 =	vld [tilespmem:$0x1FD80]  }
0x108: {  	v7 =	vld.idx.msk [tilespmem:v7+s13+$0x0], $0xffff  }
0x109: {  	v10 =	vld [tilespmem:$0x1FD30]  }
0x10a: {  	v39 =	vmul.f32 v32, v32;
	v11 =	vld [tilespmem:$0x1FD10]  }
0x10b: {  	v3 =	vadd.f32 v37, v3;
	v20 =	vmul.f32 v29, v20;
	v19 =	vadd.f32 v21, v19;
	v21 =	vld [tilespmem:$0x1FBE0]  }
0x10c: {  	v8 =	vld.idx.msk [tilespmem:v8+s13+$0x0], $0xffff  }
0x10d: {  	v3 =	vadd.f32 v39, v3;
	v42 =	vmul.f32 v6, v6;
	v15 =	vadd.f32 v20, v15;
	v20 =	vld [tilespmem:$0x1FF10]  }
0x10e: {  	v58 =	vld [tilespmem:$0x1FCB0]  }
0x10f: {  	v44 =	vmul.f32 v1, v1;
	v3 =	vadd.f32 v42, v3;
	v9 =	vld.idx.msk [tilespmem:v9+s13+$0x0], $0xffff  }
0x110: {  	v0 =	vadd.f32 v21, v0;
	v21 =	vld [tilespmem:$0x1FBC0]  }
0x111: {  	v63 =	vld [tilespmem:$0x1FC80];
	v3 =	vadd.f32 v44, v3;
	v46 =	vmul.f32 v7, v7  }
0x112: {  	v10 =	vld.idx.msk [tilespmem:v10+s13+$0x0], $0xffff;
	v20 =	vmul.f32 v2, v20  }
0x113: {  	v3 =	vadd.f32 v46, v3;
	v48 =	vmul.f32 v8, v8;
	v11 =	vld.idx.msk [tilespmem:v11+s13+$0x0], $0xffff  }
0x114: {  	v15 =	vadd.f32 v20, v15;
	v20 =	vld [tilespmem:$0x1FED0]  }
0x115: {  	v3 =	vadd.f32 v48, v3;
	v52 =	vmul.f32 v9, v9;
	v19 =	vadd.f32 v21, v19;
	v21 =	vld [tilespmem:$0x1FEB0]  }
0x116: {  	v36 =	vld [tilespmem:$0x1FE80]  }
0x117: {  	v37 =	vld [tilespmem:$0x1FE60];
	v3 =	vadd.f32 v52, v3;
	v57 =	vmul.f32 v10, v10  }
0x118: {  	v13 =	vld.idx.msk [tilespmem:v58+s13+$0x0], $0xffff  }
0x119: {  	v38 =	vld [tilespmem:$0x1FE30];
	v3 =	vadd.f32 v57, v3;
	v62 =	vmul.f32 v11, v11  }
0x11a: {  	v14 =	vld.idx.msk [tilespmem:v63+s13+$0x0], $0xffff;
	v20 =	vmul.f32 v4, v20;
	v2 =	vmul.f32 v2, v21  }
0x11b: {  	v39 =	vld [tilespmem:$0x1FB60];
	v33 =	vmul.f32 v12, v12;
	v3 =	vadd.f32 v62, v3  }
0x11c: {  	v4 =	vmul.f32 v4, v37;
	v15 =	vadd.f32 v20, v15;
	v20 =	vld [tilespmem:$0x1FB80];
	v2 =	vadd.f32 v2, v16  }
0x11d: {  	v47 =	vld [tilespmem:$0x1FA80];
	v34 =	vmul.f32 v13, v13;
	v3 =	vadd.f32 v33, v3  }
0x11e: {  	v21 =	vld [tilespmem:$0x1FBA0];
	v2 =	vadd.f32 v4, v2  }
0x11f: {  	v17 =	vmul.f32 v30, v36;
	v48 =	vld [tilespmem:$0x1FD40];
	v35 =	vmul.f32 v14, v14;
	v3 =	vadd.f32 v34, v3  }
0x120: {  	v45 =	vld [tilespmem:$0x1FD60];
	v16 =	vmul.f32 v5, v38;
	v5 =	vmul.f32 v5, v40;
	v2 =	vadd.f32 v18, v2  }
0x121: {  	v50 =	vld [tilespmem:$0x1FAA0];
	v15 =	vadd.f32 v17, v15;
	v19 =	vadd.f32 v20, v19  }
0x122: {  	v3 =	vadd.f32 v35, v3;
	v2 =	vadd.f32 v5, v2  }
0x123: {  	v17 =	vadd.f32 v39, v19;
	v0 =	vadd.f32 v21, v0  }
0x124: {  	v42 =	vld [tilespmem:$0x1FA60];
	v19 =	vmul.f32 v32, v48;
	v2 =	vadd.f32 v47, v2  }
0x125: {  	v0 =	vmul.f32 v3, v0;
	v3 =	vmul.f32 v3, v17  }
0x126: {  	v44 =	vld [tilespmem:$0x1FA70];
	v17 =	vmul.f32 v6, v45;
	v6 =	vmul.f32 v6, v50;
	v2 =	vadd.f32 v19, v2  }
0x127: {  	v49 =	vld [tilespmem:$0x1FA90];
	v15 =	vadd.f32 v16, v15  }
0x128: {  	v2 =	vadd.f32 v6, v2;
	v6 =	vld [tilespmem:$0x1FAC0]  }
0x129: {  	v15 =	vadd.f32 v42, v15;
	_ =	sdelay $0x1  }
0x12a: {  	v15 =	vadd.f32 v44, v15;
	_ =	sdelay $0x1  }
0x12b: {  	v15 =	vadd.f32 v17, v15;
	v17 =	vmul.f32 v1, v49;
	v1 =	vmul.f32 v1, v6;
	_ =	sdelay $0x1  }
0x12c: {  	v1 =	vadd.f32 v1, v2;
	v2 =	vld [tilespmem:$0x1FAE0];
	_ =	sdelay $0x4  }
0x12d: {  	v2 =	vmul.f32 v7, v2;
	_ =	sdelay $0x1  }
0x12e: {  	v1 =	vadd.f32 v2, v1;
	v2 =	vld [tilespmem:$0x1FB00]  }
0x12f: {  	v4 =	vshra.s32 v0, $0x1;
	v0 =	vmul.f32 $5.000000000e-01, v0  }
0x130: {  	v4 =	vsub.s32 $0x5F3759DF, v4  }
0x131: {  	v41 =	vmul.f32 v4, v0  }
0x132: {  	v51 =	vld [tilespmem:$0x1FAB0]  }
0x133: {  	v16 =	vmul.f32 v4, v41;
	v2 =	vmul.f32 v8, v2  }
0x134: {  	v53 =	vld [tilespmem:$0x1FAD0]  }
0x135: {  	v16 =	vsub.f32 $1.500000000e+00, v16;
	v1 =	vadd.f32 v2, v1;
	v2 =	vld [tilespmem:$0x1FB20];
	_ =	sdelay $0x1  }
0x136: {  	v54 =	vld [tilespmem:$0x1FAF0];
	v15 =	vadd.f32 v17, v15;
	v4 =	vmul.f32 v4, v16;
	v16 =	vmul.f32 v7, v51;
	_ =	sdelay $0x1  }
0x137: {  	v6 =	vmul.f32 v4, v0;
	v15 =	vadd.f32 v16, v15;
	v16 =	vmul.f32 v8, v53;
	v8 =	vld [tilespmem:$0x1FB10]  }
0x138: {  	v2 =	vmul.f32 v9, v2  }
0x139: {  	v6 =	vmul.f32 v6, v4  }
0x13a: {  	v7 =	vadd.f32 v16, v15;
	v15 =	vmul.f32 v9, v54;
	v1 =	vadd.f32 v2, v1;
	v2 =	vld [tilespmem:$0x1FB30];
	_ =	sdelay $0x1  }
0x13b: {  	v6 =	vsub.f32 $1.500000000e+00, v6;
	v7 =	vadd.f32 v15, v7;
	v8 =	vmul.f32 v10, v8;
	_ =	sdelay $0x1  }
0x13c: {  	v4 =	vmul.f32 v6, v4;
	v6 =	vadd.f32 v8, v7;
	v7 =	vld [tilespmem:$0x1FC40]  }
0x13d: {  	v2 =	vmul.f32 v10, v2;
	_ =	sdelay $0x1  }
0x13e: {  	v1 =	vadd.f32 v2, v1;
	v2 =	vld [tilespmem:$0x1FBF0]  }
0x13f: {  	v43 =	vshra.s32 v3, $0x1;
	v3 =	vmul.f32 $5.000000000e-01, v3  }
0x140: {  	v5 =	vsub.s32 $0x5F3759DF, v43;
	v7 =	vmul.f32 v11, v7  }
0x141: {  	v46 =	vmul.f32 v5, v3  }
0x142: {  	v6 =	vadd.f32 v7, v6;
	v7 =	vld [tilespmem:$0x1FC10]  }
0x143: {  	v18 =	vmul.f32 v5, v46;
	v2 =	vmul.f32 v11, v2;
	_ =	sdelay $0x1  }
0x144: {  	v52 =	vsub.f32 $1.500000000e+00, v18;
	v1 =	vadd.f32 v2, v1;
	v2 =	vld [tilespmem:$0x1FBB0];
	_ =	sdelay $0x1  }
0x145: {  	v5 =	vmul.f32 v5, v52;
	v7 =	vmul.f32 v12, v7;
	_ =	sdelay $0x1  }
0x146: {  	v55 =	vmul.f32 v5, v3;
	v6 =	vadd.f32 v7, v6;
	v7 =	vld [tilespmem:$0x1FBD0]  }
0x147: {  	v2 =	vmul.f32 v12, v2  }
0x148: {  	v56 =	vmul.f32 v55, v5  }
0x149: {  	v1 =	vadd.f32 v2, v1;
	v2 =	vld [tilespmem:$0x1FB70]  }
0x14a: {  	v8 =	vsub.f32 $1.500000000e+00, v56  }
0x14b: {  	v7 =	vmul.f32 v13, v7  }
0x14c: {  	v5 =	vmul.f32 v8, v5  }
0x14d: {  	v0 =	vmul.f32 v4, v0;
	v6 =	vadd.f32 v7, v6;
	v7 =	vld [tilespmem:$0x1FB90]  }
0x14e: {  	v3 =	vmul.f32 v5, v3;
	v2 =	vmul.f32 v13, v2  }
0x14f: {  	v0 =	vmul.f32 v0, v4  }
0x150: {  	v3 =	vmul.f32 v3, v5;
	v1 =	vadd.f32 v2, v1;
	v2 =	vld [tilespmem:$0x1FB50]  }
0x151: {  	v22 =	vld [tilespmem:$0x1FFF0];
	v0 =	vsub.f32 $1.500000000e+00, v0  }
0x152: {  	v3 =	vsub.f32 $1.500000000e+00, v3;
	v7 =	vmul.f32 v14, v7  }
0x153: {  	v0 =	vmul.f32 v0, v4  }
0x154: {  	v4 =	vmov s22;
	v3 =	vmul.f32 v3, v5;
	v5 =	vld [tilespmem:$0x1FFE0];
	v6 =	vadd.f32 v7, v6  }
0x155: {  	v0 =	vmin.f32 v0, $1.000000000e+08;
	v7 =	vmul.f32 v14, v2;
	v2 =	vshll.u32 v4, $0x5  }
0x156: {  	v0 =	vmul.f32 v0, v6;
	v2 =	vor.u32 v22, v2  }
0x157: {  	v4 =	vor.u32 $0x1F, v2  }
0x158: {  	v0 =	vmax.f32 v0, $0.0e+00  }
0x159: {  	v0 =	vadd.f32 v0, v5;
	v5 =	vor.u32 $0x1B, v2;
	_ =	sdelay $0x1  }
0x15a: {  	v1 =	vadd.f32 v7, v1;
	v6 =	vor.u32 $0xD, v2  }
0x15b: {  	v3 =	vmin.f32 v3, $1.000000000e+08;
	v23 =	vld.idx.msk [tilespmem:v4+s15+$0x0], $0xffff  }
0x15c: {  	v1 =	vmul.f32 v3, v1;
	v3 =	vor.u32 $0x1E, v2;
	v43 =	vld.idx.msk [tilespmem:v4+s16+$0x0], $0xffff  }
0x15d: {  	v44 =	vld.idx.msk [tilespmem:v5+s15+$0x0], $0xffff  }
0x15e: {  	v0 =	vsub.f32 v0, v1;
	v1 =	vor.u32 $0x1C, v2;
	v34 =	vld.idx.msk [tilespmem:v5+s16+$0x0], $0xffff  }
0x15f: {  	v24 =	vld.idx.msk [tilespmem:v6+s15+$0x0], $0xffff  }
0x160: {  	v5 =	vor.u32 $0x16, v2;
	v25 =	vld.idx.msk [tilespmem:v6+s16+$0x0], $0xffff  }
0x161: {  	v27 =	vld.idx.msk [tilespmem:v3+s15+$0x0], $0xffff  }
0x162: {  	[tilespmem:$0x1FFE0] =	vst v0;
	v0 =	vor.u32 $0x1D, v2;
	v38 =	vld.idx.msk [tilespmem:v3+s16+$0x0], $0xffff  }
0x163: {  	v3 =	vor.u32 $0x19, v2;
	v41 =	vld.idx.msk [tilespmem:v1+s15+$0x0], $0xffff  }
0x164: {  	v45 =	vld.idx.msk [tilespmem:v1+s16+$0x0], $0xffff  }
0x165: {  	v1 =	vor.u32 $0x17, v2;
	v62 =	vld.idx.msk [tilespmem:v5+s15+$0x0], $0xffff  }
0x166: {  	v57 =	vld.idx.msk [tilespmem:v5+s16+$0x0], $0xffff  }
0x167: {  	v5 =	vor.u32 $0x11, v2;
	v32 =	vld.idx.msk [tilespmem:v0+s15+$0x0], $0xffff  }
0x168: {  	v49 =	vld.idx.msk [tilespmem:v3+s15+$0x0], $0xffff  }
0x169: {  	v53 =	vld.idx.msk [tilespmem:v3+s16+$0x0], $0xffff;
	v3 =	vor.u32 $0x14, v2  }
0x16a: {  	v55 =	vld.idx.msk [tilespmem:v1+s15+$0x0], $0xffff  }
0x16b: {  	v63 =	vld.idx.msk [tilespmem:v1+s16+$0x0], $0xffff;
	v1 =	vor.u32 $0x12, v2  }
0x16c: {  	v17 =	vld.idx.msk [tilespmem:v5+s15+$0x0], $0xffff  }
0x16d: {  	v20 =	vld.idx.msk [tilespmem:v5+s16+$0x0], $0xffff  }
0x16e: {  	v31 =	vld.idx.msk [tilespmem:v3+s15+$0x0], $0xffff  }
0x16f: {  	v6 =	vmul.f32 v23, v23;
	v5 =	vor.u32 $0xC, v2;
	v59 =	vld.idx.msk [tilespmem:v3+s16+$0x0], $0xffff  }
0x170: {  	v51 =	vld.idx.msk [tilespmem:v1+s15+$0x0], $0xffff  }
0x171: {  	[tilespmem:$0x1FB60] =	vst v6;
	v6 =	vmul.f32 v27, v27;
	v18 =	vld.idx.msk [tilespmem:v1+s16+$0x0], $0xffff  }
0x172: {  	v3 =	vor.u32 $0xF, v2;
	v1 =	vld [tilespmem:$0x1FB40]  }
0x173: {  	v29 =	vld.idx.msk [tilespmem:v0+s16+$0x0], $0xffff;
	[tilespmem:$0x1FB80] =	vst v6;
	v6 =	vmul.f32 v43, v43  }
0x174: {  	v28 =	vld.idx.msk [tilespmem:v5+s15+$0x0], $0xffff  }
0x175: {  	v4 =	vor.u32 $0x1A, v2;
	[tilespmem:$0x1FBA0] =	vst v6;
	v6 =	vld.idx.msk [tilespmem:v5+s16+$0x0], $0xffff;
	v5 =	vmul.f32 v32, v32  }
0x176: {  	[tilespmem:$0x1FB50] =	vst v23  }
0x177: {  	v22 =	vld.idx.msk [tilespmem:v3+s15+$0x0], $0xffff;
	[tilespmem:$0x1FBC0] =	vst v5;
	v5 =	vmul.f32 v38, v38;
	v1 =	vor.u32 s22, v1  }
0x178: {  	[tilespmem:$0x1FB90] =	vst v43;
	v52 =	vld.idx.msk [tilespmem:v3+s16+$0x0], $0xffff;
	v3 =	vmulhi.u32 $0xCCCCCCCD, v1  }
0x179: {  	[tilespmem:$0x1FBE0] =	vst v5;
	v5 =	vmul.f32 v41, v41  }
0x17a: {  	v47 =	vld.idx.msk [tilespmem:v4+s15+$0x0], $0xffff;
	[tilespmem:$0x1FC10] =	vst v29;
	v3 =	vshrl.u32 v3, $0x4  }
0x17b: {  	[tilespmem:$0x1FC00] =	vst v5;
	v5 =	vmul.f32 v29, v29;
	v29 =	vshll.u32 v3, $0x5;
	v3 =	vmul.f32 v44, v44  }
0x17c: {  	[tilespmem:$0x1FF70] =	vst v24  }
0x17d: {  	[tilespmem:$0x1FC30] =	vst v3;
	v3 =	vmul.f32 v45, v45  }
0x17e: {  	[tilespmem:$0x1FFC0] =	vst v25  }
0x17f: {  	v0 =	vor.u32 $0x18, v2;
	[tilespmem:$0x1FC50] =	vst v3;
	v3 =	vmul.f32 v47, v47  }
0x180: {  	[tilespmem:$0x1FB70] =	vst v27  }
0x181: {  	v50 =	vld.idx.msk [tilespmem:v4+s16+$0x0], $0xffff;
	[tilespmem:$0x1FC60] =	vst v3;
	v3 =	vmul.f32 v34, v34  }
0x182: {  	[tilespmem:$0x1FBD0] =	vst v38  }
0x183: {  	[tilespmem:$0x1FC70] =	vst v3;
	v3 =	vor.u32 $0x1F, v29  }
0x184: {  	v56 =	vld.idx.msk [tilespmem:v0+s15+$0x0], $0xffff;
	[tilespmem:$0x1FC80] =	vst v3;
	v3 =	vmul.f32 v49, v49  }
0x185: {  	v4 =	vor.u32 $0x15, v2;
	[tilespmem:$0x1FBF0] =	vst v41  }
0x186: {  	[tilespmem:$0x1FC90] =	vst v3;
	v3 =	vmul.f32 v50, v50  }
0x187: {  	[tilespmem:$0x1FC40] =	vst v45  }
0x188: {  	[tilespmem:$0x1FCA0] =	vst v3;
	v3 =	vor.u32 $0x1E, v29  }
0x189: {  	[tilespmem:$0x1FCB0] =	vst v3;
	v3 =	vmul.f32 v56, v56  }
0x18a: {  	v13 =	vld.idx.msk [tilespmem:v4+s15+$0x0], $0xffff;
	[tilespmem:$0x1FD60] =	vst v57  }
0x18b: {  	v60 =	vld.idx.msk [tilespmem:v0+s16+$0x0], $0xffff;
	[tilespmem:$0x1FCC0] =	vst v3;
	v3 =	vmul.f32 v53, v53  }
0x18c: {  	[tilespmem:$0x1FBB0] =	vst v32  }
0x18d: {  	[tilespmem:$0x1FCD0] =	vst v3;
	v3 =	vor.u32 $0x1D, v29  }
0x18e: {  	[tilespmem:$0x1FCE0] =	vst v3;
	v3 =	vmul.f32 v55, v55  }
0x18f: {  	[tilespmem:$0x1FD40] =	vst v13  }
0x190: {  	[tilespmem:$0x1FCF0] =	vst v3;
	v3 =	vmul.f32 v60, v60  }
0x191: {  	[tilespmem:$0x1FE60] =	vst v17  }
0x192: {  	[tilespmem:$0x1FD00] =	vst v3;
	v3 =	vor.u32 $0x1C, v29  }
0x193: {  	[tilespmem:$0x1FD10] =	vst v3;
	v3 =	vmul.f32 v63, v63  }
0x194: {  	v30 =	vld.idx.msk [tilespmem:v4+s16+$0x0], $0xffff;
	v4 =	vor.u32 $0x10, v2;
	[tilespmem:$0x1FED0] =	vst v20  }
0x195: {  	[tilespmem:$0x1FD20] =	vst v3;
	v3 =	vor.u32 $0x1B, v29  }
0x196: {  	v0 =	vor.u32 $0x13, v2;
	[tilespmem:$0x1FD30] =	vst v3;
	v3 =	vmul.f32 v13, v13  }
0x197: {  	[tilespmem:$0x1FDE0] =	vst v59  }
0x198: {  	[tilespmem:$0x1FD50] =	vst v3;
	v3 =	vmul.f32 v57, v57  }
0x199: {  	v19 =	vld.idx.msk [tilespmem:v4+s15+$0x0], $0xffff;
	[tilespmem:$0x1FE10] =	vst v51  }
0x19a: {  	[tilespmem:$0x1FD70] =	vst v3;
	v3 =	vor.u32 $0x1A, v29  }
0x19b: {  	v58 =	vld.idx.msk [tilespmem:v0+s15+$0x0], $0xffff;
	[tilespmem:$0x1FD80] =	vst v3;
	v3 =	vmul.f32 v31, v31  }
0x19c: {  	v21 =	vld.idx.msk [tilespmem:v4+s16+$0x0], $0xffff;
	[tilespmem:$0x1FE80] =	vst v18  }
0x19d: {  	[tilespmem:$0x1FD90] =	vst v3;
	v3 =	vmul.f32 v30, v30  }
0x19e: {  	[tilespmem:$0x1FEB0] =	vst v19  }
0x19f: {  	[tilespmem:$0x1FDA0] =	vst v3;
	v3 =	vor.u32 $0x19, v29  }
0x1a0: {  	[tilespmem:$0x1FDB0] =	vst v3;
	v3 =	vmul.f32 v58, v58  }
0x1a1: {  	[tilespmem:$0x1FF10] =	vst v21  }
0x1a2: {  	v16 =	vld.idx.msk [tilespmem:v0+s16+$0x0], $0xffff;
	[tilespmem:$0x1FDD0] =	vst v3;
	v3 =	vmul.f32 v59, v59  }
0x1a3: {  	v11 =	vor.u32 $0x8, v2;
	[tilespmem:$0x1FFA0] =	vst v28  }
0x1a4: {  	v10 =	vor.u32 $0x7, v2;
	[tilespmem:$0x1FDF0] =	vst v3;
	v3 =	vor.u32 $0x18, v29  }
0x1a5: {  	v8 =	vor.u32 $0xA, v2;
	[tilespmem:$0x1FE00] =	vst v3;
	v3 =	vmul.f32 v51, v51  }
0x1a6: {  	v37 =	vld.idx.msk [tilespmem:v2+s15+$0x0], $0xffff;
	[tilespmem:$0x1FDC0] =	vst v58  }
0x1a7: {  	v40 =	vld.idx.msk [tilespmem:v2+s16+$0x0], $0xffff;
	[tilespmem:$0x1FE20] =	vst v3;
	v3 =	vmul.f32 v16, v16  }
0x1a8: {  	v36 =	vld.idx.msk [tilespmem:v11+s16+$0x0], $0xffff;
	v0 =	vor.u32 $0xE, v2;
	[tilespmem:$0x1FE30] =	vst v16  }
0x1a9: {  	v43 =	vld.idx.msk [tilespmem:v10+s15+$0x0], $0xffff;
	[tilespmem:$0x1FE40] =	vst v3;
	v3 =	vor.u32 $0x17, v29  }
0x1aa: {  	v39 =	vor.u32 $0x2, v2;
	v32 =	vld.idx.msk [tilespmem:v8+s15+$0x0], $0xffff;
	[tilespmem:$0x1FE50] =	vst v3;
	v3 =	vmul.f32 v17, v17  }
0x1ab: {  	v4 =	vor.u32 $0xB, v2;
	v8 =	vld.idx.msk [tilespmem:v8+s16+$0x0], $0xffff;
	[tilespmem:$0x1FEF0] =	vst v22  }
0x1ac: {  	v38 =	vld.idx.msk [tilespmem:v11+s15+$0x0], $0xffff;
	[tilespmem:$0x1FE70] =	vst v3;
	v3 =	vmul.f32 v18, v18  }
0x1ad: {  	v7 =	vor.u32 $0x9, v2;
	v54 =	vld.idx.msk [tilespmem:v0+s15+$0x0], $0xffff;
	[tilespmem:$0x1FF50] =	vst v52  }
0x1ae: {  	v61 =	vld.idx.msk [tilespmem:v0+s16+$0x0], $0xffff;
	v0 =	vor.u32 $0x4, v2;
	[tilespmem:$0x1FE90] =	vst v3;
	v3 =	vor.u32 $0x16, v29  }
0x1af: {  	v11 =	vld.idx.msk [tilespmem:v39+s15+$0x0], $0xffff;
	[tilespmem:$0x1FEA0] =	vst v3;
	v3 =	vmul.f32 v19, v19  }
0x1b0: {  	v26 =	vld.idx.msk [tilespmem:v4+s15+$0x0], $0xffff;
	[tilespmem:$0x1FC20] =	vst v5  }
0x1b1: {  	v4 =	vld.idx.msk [tilespmem:v4+s16+$0x0], $0xffff;
	[tilespmem:$0x1FEC0] =	vst v3;
	v3 =	vmul.f32 v20, v20  }
0x1b2: {  	v1 =	vor.u32 $0x3, v2;
	v5 =	vld.idx.msk [tilespmem:v7+s16+$0x0], $0xffff;
	[tilespmem:$0x1FF30] =	vst v54  }
0x1b3: {  	v9 =	vor.u32 $0x6, v2;
	v58 =	vld.idx.msk [tilespmem:v0+s15+$0x0], $0xffff;
	[tilespmem:$0x1FEE0] =	vst v3;
	v3 =	vmul.f32 v22, v22  }
0x1b4: {  	v12 =	vor.u32 $0x5, v2;
	[tilespmem:$0x1FF90] =	vst v61;
	v59 =	vld.idx.msk [tilespmem:v0+s16+$0x0], $0xffff;
	v0 =	vmul.f32 v24, v24  }
0x1b5: {  	v42 =	vmov v44;
	v44 =	vld.idx.msk [tilespmem:v10+s16+$0x0], $0xffff;
	[tilespmem:$0x1FF00] =	vst v3;
	v3 =	vmul.f32 v21, v21  }
0x1b6: {  	p0 =	sne.s32 s22, $0x70;
	v33 =	vmul.f32 v37, v37;
	v45 =	vld.idx.msk [tilespmem:v7+s15+$0x0], $0xffff;
	[tilespmem:$0x1FF80] =	vst v0;
	v0 =	vmul.f32 v28, v28  }
.Ltmp0:
0x1b7: {  	v35 =	vmul.f32 v40, v40;
	v46 =	vmov v47;
	v48 =	vld.idx.msk [tilespmem:v1+s15+$0x0], $0xffff;
	[tilespmem:$0x1FF20] =	vst v3;
	v3 =	vmul.f32 v54, v54;
	(pc) =	sbr.rel @p0 .LBB2_3-.Ltmp0, $4  }
0x1b8: {  	v23 =	vmul.f32 v62, v62;
	v47 =	vmov v50;
	v50 =	vld.idx.msk [tilespmem:v9+s15+$0x0], $0xffff;
	[tilespmem:$0x1FFB0] =	vst v0;
	v0 =	vmul.f32 v25, v25  }
0x1b9: {  	v41 =	vmovc v49;
	v2 =	vor.u32 $0x1, v2;
	v49 =	vmov v56;
	v56 =	vld.idx.msk [tilespmem:v12+s15+$0x0], $0xffff;
	[tilespmem:$0x1FF40] =	vst v3;
	v3 =	vmul.f32 v52, v52  }
0x1ba: {  	v27 =	vor.u32 $0x15, v29;
	v7 =	vmovc v30;
	v57 =	vld.idx.msk [tilespmem:v12+s16+$0x0], $0xffff;
	v30 =	vor.u32 $0x14, v29;
	v28 =	vmovc v31;
	v31 =	vor.u32 $0x11, v29;
	[tilespmem:$0x1FFD0] =	vst v0  }
0x1bb: {  	s22 =	sadd.s32 $0x10, s22;
	v51 =	vld.idx.msk [tilespmem:v9+s16+$0x0], $0xffff;
	v54 =	vmul.f32 v61, v61;
	v61 =	vor.u32 $0x12, v29;
	v52 =	vor.u32 $0x13, v29;
	[tilespmem:$0x1FF60] =	vst v3  }
0x1bc: {  	_ =	sdelay $0x3  }
0x1bd: {  	v3 =	vld.idx.msk [tilespmem:v2+s15+$0x0], $0xffff  }
0x1be: {  	v0 =	vor.u32 $0x1, v29;
	v20 =	vmov v4;
	v4 =	vld.idx.msk [tilespmem:v29+s13+$0x0], $0xffff  }
0x1bf: {  	v15 =	vor.u32 $0x2, v29;
	v2 =	vld.idx.msk [tilespmem:v2+s16+$0x0], $0xffff  }
0x1c0: {  	v21 =	vmov v6;
	v6 =	vld.idx.msk [tilespmem:v39+s16+$0x0], $0xffff;
	v22 =	vor.u32 $0x3, v29  }
0x1c1: {  	v1 =	vld.idx.msk [tilespmem:v1+s16+$0x0], $0xffff;
	_ =	sdelay $0x1  }
0x1c2: {  	v10 =	vmul.f32 v11, v11;
	v0 =	vld.idx.msk [tilespmem:v0+s13+$0x0], $0xffff;
	v37 =	vmul.f32 v4, v37  }
0x1c3: {  	v25 =	vmovc v5;
	v12 =	vor.u32 $0x4, v29;
	v5 =	vld.idx.msk [tilespmem:v15+s13+$0x0], $0xffff;
	v9 =	vmul.f32 v3, v3;
	v13 =	vmul.f32 v2, v2  }
0x1c4: {  	v24 =	vmovc v7;
	v39 =	vor.u32 $0x5, v29;
	v14 =	vmul.f32 v4, v4;
	v4 =	vmul.f32 v4, v40;
	v7 =	vld.idx.msk [tilespmem:v22+s13+$0x0], $0xffff  }
0x1c5: {  	v16 =	vmul.f32 v6, v6;
	v18 =	vmul.f32 v1, v1;
	v9 =	vadd.f32 v9, v33  }
0x1c6: {  	v19 =	vmovc v8;
	v13 =	vadd.f32 v13, v35;
	v8 =	vadd.f32 $0.0e+00, v37;
	v37 =	vmul.f32 v48, v48  }
0x1c7: {  	v4 =	vadd.f32 $0.0e+00, v4;
	v15 =	vmul.f32 v0, v0;
	v3 =	vmul.f32 v0, v3  }
0x1c8: {  	v13 =	vadd.f32 v16, v13;
	v40 =	vmul.f32 v5, v5;
	v0 =	vmul.f32 v0, v2  }
0x1c9: {  	v9 =	vadd.f32 v10, v9;
	v33 =	vmul.f32 v5, v11;
	v35 =	vmul.f32 v7, v7  }
0x1ca: {  	v5 =	vmul.f32 v5, v6;
	v1 =	vmul.f32 v7, v1;
	v22 =	vadd.f32 v18, v13  }
0x1cb: {  	v2 =	vld.idx.msk [tilespmem:v12+s13+$0x0], $0xffff;
	v17 =	vadd.f32 v37, v9;
	v18 =	vmul.f32 v58, v58;
	v37 =	vmul.f32 v7, v48  }
0x1cc: {  	v48 =	vor.u32 $0x9, v29;
	v14 =	vadd.f32 v15, v14;
	v15 =	vor.u32 $0x6, v29  }
0x1cd: {  	v3 =	vadd.f32 v3, v8;
	v0 =	vadd.f32 v0, v4;
	v8 =	vld.idx.msk [tilespmem:v39+s13+$0x0], $0xffff;
	v39 =	vmul.f32 v59, v59  }
0x1ce: {  	v6 =	vadd.f32 v18, v17;
	v12 =	vadd.f32 v40, v14;
	v40 =	vor.u32 $0x7, v29  }
0x1cf: {  	v3 =	vadd.f32 v33, v3;
	v4 =	vadd.f32 v39, v22;
	v33 =	vmul.f32 v57, v57  }
0x1d0: {  	v22 =	vor.u32 $0x8, v29;
	v11 =	vadd.f32 v35, v12;
	v12 =	vmul.f32 v2, v2  }
0x1d1: {  	v0 =	vadd.f32 v5, v0;
	v4 =	vadd.f32 v33, v4;
	v33 =	vmul.f32 v56, v56  }
0x1d2: {  	v3 =	vadd.f32 v37, v3;
	v9 =	vld.idx.msk [tilespmem:v15+s13+$0x0], $0xffff;
	v35 =	vmul.f32 v8, v8;
	v10 =	vadd.f32 v12, v11  }
0x1d3: {  	v37 =	vor.u32 $0xA, v29;
	v6 =	vadd.f32 v33, v6;
	v7 =	vld.idx.msk [tilespmem:v40+s13+$0x0], $0xffff;
	v40 =	vmul.f32 v51, v51  }
0x1d4: {  	v33 =	vmul.f32 v25, v25;
	v39 =	vadd.f32 v35, v10;
	v35 =	vmul.f32 v44, v44;
	v10 =	vld.idx.msk [tilespmem:v48+s13+$0x0], $0xffff  }
0x1d5: {  	v48 =	vmul.f32 v36, v36;
	v18 =	vadd.f32 v40, v4;
	v4 =	vld.idx.msk [tilespmem:v22+s13+$0x0], $0xffff;
	v22 =	vmul.f32 v2, v58  }
0x1d6: {  	v0 =	vadd.f32 v1, v0;
	v2 =	vmul.f32 v2, v59;
	v40 =	vmul.f32 v50, v50  }
0x1d7: {  	v58 =	vor.u32 $0xB, v29;
	v3 =	vadd.f32 v22, v3;
	v1 =	vadd.f32 v35, v18  }
0x1d8: {  	v17 =	vmul.f32 v9, v9;
	v0 =	vadd.f32 v2, v0;
	v18 =	vadd.f32 v40, v6  }
0x1d9: {  	v6 =	vld.idx.msk [tilespmem:v37+s13+$0x0], $0xffff;
	v22 =	vmul.f32 v8, v56;
	v35 =	vmul.f32 v43, v43;
	v37 =	vor.u32 $0xC, v29  }
0x1da: {  	v8 =	vmul.f32 v8, v57;
	v40 =	vor.u32 $0xD, v29;
	v56 =	vmul.f32 v38, v38  }
0x1db: {  	v16 =	vld.idx.msk [tilespmem:v61+s13+$0x0], $0xffff;
	v57 =	vor.u32 $0xE, v29;
	v5 =	vadd.f32 v17, v39;
	v2 =	vadd.f32 v35, v18  }
0x1dc: {  	v39 =	vmul.f32 v7, v7;
	v1 =	vadd.f32 v48, v1;
	v3 =	vadd.f32 v22, v3;
	v12 =	vld.idx.msk [tilespmem:v58+s13+$0x0], $0xffff  }
0x1dd: {  	v48 =	vmul.f32 v19, v19;
	v0 =	vadd.f32 v8, v0;
	v2 =	vadd.f32 v56, v2;
	v56 =	vld [tilespmem:$0x1FFD0]  }
0x1de: {  	v22 =	vor.u32 $0xF, v29;
	v5 =	vadd.f32 v39, v5;
	v59 =	vmul.f32 v4, v4;
	v11 =	vld.idx.msk [tilespmem:v37+s13+$0x0], $0xffff  }
0x1df: {  	v35 =	vmul.f32 v20, v20;
	v39 =	vmul.f32 v10, v10;
	v1 =	vadd.f32 v33, v1;
	v13 =	vld.idx.msk [tilespmem:v40+s13+$0x0], $0xffff  }
0x1e0: {  	v33 =	vmul.f32 v45, v45;
	v5 =	vadd.f32 v59, v5;
	v58 =	vmul.f32 v6, v6;
	v8 =	vld.idx.msk [tilespmem:v57+s13+$0x0], $0xffff  }
0x1e1: {  	v59 =	vmul.f32 v9, v50;
	v9 =	vmul.f32 v9, v51;
	v37 =	vor.u32 $0x10, v29;
	v29 =	vld [tilespmem:$0x1FF80]  }
0x1e2: {  	v50 =	vmul.f32 v7, v43;
	v7 =	vmul.f32 v7, v44;
	v44 =	vld [tilespmem:$0x1FEC0]  }
0x1e3: {  	v3 =	vadd.f32 v59, v3;
	v14 =	vld.idx.msk [tilespmem:v22+s13+$0x0], $0xffff;
	v59 =	vmul.f32 v4, v38;
	v4 =	vmul.f32 v4, v36  }
0x1e4: {  	v1 =	vadd.f32 v48, v1;
	v36 =	vmul.f32 v10, v45;
	v10 =	vmul.f32 v10, v25;
	v25 =	vld [tilespmem:$0x1FDD0]  }
0x1e5: {  	v5 =	vadd.f32 v39, v5;
	v39 =	vmul.f32 v32, v32;
	v45 =	vmul.f32 v6, v32;
	v32 =	vld [tilespmem:$0x1FFA0]  }
0x1e6: {  	v0 =	vadd.f32 v9, v0;
	v1 =	vadd.f32 v35, v1;
	v35 =	vld [tilespmem:$0x1FF40]  }
0x1e7: {  	v5 =	vadd.f32 v58, v5;
	v58 =	vld [tilespmem:$0x1FFB0]  }
0x1e8: {  	v2 =	vadd.f32 v33, v2;
	v0 =	vadd.f32 v7, v0;
	v7 =	vld.idx.msk [tilespmem:v31+s13+$0x0], $0xffff  }
0x1e9: {  	v31 =	vld [tilespmem:$0x1FF60]  }
0x1ea: {  	v2 =	vadd.f32 v39, v2;
	v39 =	vld [tilespmem:$0x1FF00]  }
0x1eb: {  	v3 =	vadd.f32 v50, v3;
	v50 =	vld [tilespmem:$0x1FE70]  }
0x1ec: {  	v40 =	vmul.f32 v21, v21;
	v15 =	vld.idx.msk [tilespmem:v37+s13+$0x0], $0xffff  }
0x1ed: {  	v37 =	vld [tilespmem:$0x1FF20]  }
0x1ee: {  	v17 =	vmul.f32 v12, v12;
	v1 =	vadd.f32 v40, v1;
	v40 =	vld [tilespmem:$0x1FEE0]  }
0x1ef: {  	v0 =	vadd.f32 v4, v0;
	v4 =	vld.idx.msk [tilespmem:v52+s13+$0x0], $0xffff  }
0x1f0: {  	v5 =	vadd.f32 v17, v5;
	v17 =	vld.idx.msk [tilespmem:v30+s13+$0x0], $0xffff  }
0x1f1: {  	v52 =	vld [tilespmem:$0x1FE40]  }
0x1f2: {  	v3 =	vadd.f32 v59, v3;
	v59 =	vld [tilespmem:$0x1FDF0]  }
0x1f3: {  	v30 =	vld [tilespmem:$0x1FD90]  }
0x1f4: {  	v18 =	vmul.f32 v26, v26;
	v1 =	vadd.f32 v56, v1;
	v56 =	vld [tilespmem:$0x1FE20]  }
0x1f5: {  	v0 =	vadd.f32 v10, v0;
	v10 =	vld.idx.msk [tilespmem:v27+s13+$0x0], $0xffff  }
0x1f6: {  	v48 =	vmul.f32 v11, v11;
	v2 =	vadd.f32 v18, v2;
	v27 =	vld [tilespmem:$0x1FDA0]  }
0x1f7: {  	v51 =	vmul.f32 v13, v13;
	v3 =	vadd.f32 v36, v3;
	v36 =	vld [tilespmem:$0x1FD50]  }
0x1f8: {  	v5 =	vadd.f32 v48, v5;
	v2 =	vadd.f32 v58, v2;
	v58 =	vmul.f32 v12, v26;
	v26 =	vld [tilespmem:$0x1FE00]  }
0x1f9: {  	v1 =	vadd.f32 v54, v1;
	v12 =	vmul.f32 v12, v20;
	v20 =	vmul.f32 v11, v32;
	v32 =	vld [tilespmem:$0x1FEF0]  }
0x1fa: {  	v57 =	vmul.f32 v8, v8;
	v5 =	vadd.f32 v51, v5;
	v51 =	vld [tilespmem:$0x1FEA0]  }
0x1fb: {  	v3 =	vadd.f32 v45, v3;
	v1 =	vadd.f32 v31, v1;
	v31 =	vld [tilespmem:$0x1FDB0]  }
0x1fc: {  	v5 =	vadd.f32 v57, v5;
	v57 =	vld [tilespmem:$0x1FE50]  }
0x1fd: {  	v22 =	vmul.f32 v14, v14;
	v2 =	vadd.f32 v29, v2;
	v3 =	vadd.f32 v58, v3;
	v58 =	vld [tilespmem:$0x1FF30]  }
0x1fe: {  	v1 =	vadd.f32 v37, v1;
	v37 =	vld [tilespmem:$0x1FD80]  }
0x1ff: {  	v33 =	vmul.f32 v15, v15;
	v2 =	vadd.f32 v35, v2;
	v5 =	vadd.f32 v22, v5;
	v22 =	vld [tilespmem:$0x1FE90]  }
0x200: {  	v1 =	vadd.f32 v40, v1;
	v40 =	vld [tilespmem:$0x1FD30]  }
0x201: {  	v2 =	vadd.f32 v39, v2;
	v5 =	vadd.f32 v33, v5;
	v33 =	vld [tilespmem:$0x1FD70]  }
0x202: {  	v6 =	vmul.f32 v6, v19;
	v19 =	vld.idx.msk [tilespmem:v26+s13+$0x0], $0xffff  }
0x203: {  	v2 =	vadd.f32 v44, v2;
	v44 =	vld [tilespmem:$0x1FD00]  }
0x204: {  	v38 =	vmul.f32 v7, v7;
	v26 =	vld [tilespmem:$0x1FC90]  }
0x205: {  	v18 =	vld.idx.msk [tilespmem:v51+s13+$0x0], $0xffff  }
0x206: {  	v0 =	vadd.f32 v6, v0;
	v5 =	vadd.f32 v38, v5;
	v38 =	vld [tilespmem:$0x1FD20]  }
0x207: {  	v51 =	vld [tilespmem:$0x1FD10]  }
0x208: {  	v0 =	vadd.f32 v12, v0;
	v12 =	vld.idx.msk [tilespmem:v31+s13+$0x0], $0xffff  }
0x209: {  	v2 =	vadd.f32 v50, v2;
	v50 =	vld [tilespmem:$0x1FCF0]  }
0x20a: {  	v31 =	vld [tilespmem:$0x1FC60]  }
0x20b: {  	v43 =	vmul.f32 v16, v16;
	v1 =	vadd.f32 v22, v1;
	v22 =	vmul.f32 v8, v58;
	v58 =	vld [tilespmem:$0x1FB80]  }
0x20c: {  	v6 =	vld.idx.msk [tilespmem:v57+s13+$0x0], $0xffff  }
0x20d: {  	v5 =	vadd.f32 v43, v5;
	v43 =	vld [tilespmem:$0x1FF70]  }
0x20e: {  	v57 =	vld [tilespmem:$0x1FCE0]  }
0x20f: {  	v3 =	vadd.f32 v20, v3;
	v20 =	vld.idx.msk [tilespmem:v37+s13+$0x0], $0xffff  }
0x210: {  	v1 =	vadd.f32 v52, v1;
	v52 =	vld [tilespmem:$0x1FCD0]  }
0x211: {  	v48 =	vmul.f32 v4, v4;
	v2 =	vadd.f32 v56, v2;
	v56 =	vld [tilespmem:$0x1FCC0]  }
0x212: {  	v11 =	vmul.f32 v11, v21;
	v37 =	vld [tilespmem:$0x1FF50]  }
0x213: {  	v5 =	vadd.f32 v48, v5;
	v48 =	vld [tilespmem:$0x1FFC0]  }
0x214: {  	v0 =	vadd.f32 v11, v0;
	v11 =	vld.idx.msk [tilespmem:v40+s13+$0x0], $0xffff  }
0x215: {  	v1 =	vadd.f32 v59, v1;
	v59 =	vld [tilespmem:$0x1FCA0]  }
0x216: {  	v54 =	vmul.f32 v17, v17;
	v2 =	vadd.f32 v25, v2;
	v25 =	vld [tilespmem:$0x1FF90]  }
0x217: {  	v1 =	vadd.f32 v27, v1;
	v21 =	vmul.f32 v13, v43;
	v27 =	vld [tilespmem:$0x1FCB0]  }
0x218: {  	v61 =	vmul.f32 v10, v10;
	v5 =	vadd.f32 v54, v5;
	v43 =	vld [tilespmem:$0x1FC00]  }
0x219: {  	v3 =	vadd.f32 v21, v3;
	v21 =	vld.idx.msk [tilespmem:v51+s13+$0x0], $0xffff  }
0x21a: {  	v29 =	vmul.f32 v18, v18;
	v5 =	vadd.f32 v61, v5;
	v1 =	vadd.f32 v33, v1;
	v33 =	vld [tilespmem:$0x1FC50]  }
0x21b: {  	v51 =	vld [tilespmem:$0x1FBC0]  }
0x21c: {  	v2 =	vadd.f32 v30, v2;
	v13 =	vmul.f32 v13, v48;
	v5 =	vadd.f32 v29, v5;
	v29 =	vld [tilespmem:$0x1FC70]  }
0x21d: {  	v35 =	vmul.f32 v6, v6;
	v8 =	vmul.f32 v8, v25;
	v25 =	vld [tilespmem:$0x1FDE0]  }
0x21e: {  	v2 =	vadd.f32 v36, v2;
	v0 =	vadd.f32 v13, v0;
	v13 =	vld.idx.msk [tilespmem:v57+s13+$0x0], $0xffff  }
0x21f: {  	v39 =	vmul.f32 v19, v19;
	v1 =	vadd.f32 v38, v1;
	v38 =	vld [tilespmem:$0x1FC30];
	v5 =	vadd.f32 v35, v5  }
0x220: {  	v2 =	vadd.f32 v23, v2;
	v35 =	vld [tilespmem:$0x1FC80]  }
0x221: {  	v45 =	vmul.f32 v12, v12;
	v57 =	vld [tilespmem:$0x1FE80];
	v1 =	vadd.f32 v44, v1;
	v5 =	vadd.f32 v39, v5  }
0x222: {  	v3 =	vadd.f32 v22, v3;
	v2 =	vadd.f32 v50, v2;
	v44 =	vld [tilespmem:$0x1FF10]  }
0x223: {  	v54 =	vmul.f32 v20, v20;
	v50 =	vld [tilespmem:$0x1FED0];
	v1 =	vadd.f32 v52, v1;
	v5 =	vadd.f32 v45, v5  }
0x224: {  	v0 =	vadd.f32 v8, v0;
	v8 =	vmul.f32 v14, v32;
	v39 =	vld [tilespmem:$0x1FC20];
	v2 =	vadd.f32 v56, v2  }
0x225: {  	v61 =	vmul.f32 v11, v11;
	v22 =	vld.idx.msk [tilespmem:v27+s13+$0x0], $0xffff;
	v1 =	vadd.f32 v59, v1;
	v5 =	vadd.f32 v54, v5  }
0x226: {  	v3 =	vadd.f32 v8, v3;
	v8 =	vmul.f32 v14, v37;
	v56 =	vld [tilespmem:$0x1FE10];
	v2 =	vadd.f32 v26, v2  }
0x227: {  	v30 =	vmul.f32 v21, v21;
	v45 =	vld [tilespmem:$0x1FBE0];
	v1 =	vadd.f32 v29, v1;
	v5 =	vadd.f32 v61, v5  }
0x228: {  	v0 =	vadd.f32 v8, v0;
	v8 =	vmul.f32 v15, v44;
	v2 =	vadd.f32 v31, v2;
	v9 =	vld.idx.msk [tilespmem:v35+s13+$0x0], $0xffff  }
0x229: {  	v52 =	vld [tilespmem:$0x1FBA0];
	v36 =	vmul.f32 v13, v13;
	v1 =	vadd.f32 v33, v1;
	v5 =	vadd.f32 v30, v5  }
0x22a: {  	v14 =	vmul.f32 v7, v50;
	v54 =	vld [tilespmem:$0x1FEB0];
	v0 =	vadd.f32 v8, v0;
	v2 =	vadd.f32 v38, v2  }
0x22b: {  	v59 =	vld [tilespmem:$0x1FE60];
	v40 =	vmul.f32 v22, v22;
	v1 =	vadd.f32 v39, v1;
	v5 =	vadd.f32 v36, v5  }
0x22c: {  	v23 =	vld [tilespmem:$0x1FE30];
	v8 =	vmul.f32 v16, v56;
	v61 =	vmul.f32 v17, v28;
	v2 =	vadd.f32 v43, v2  }
0x22d: {  	v26 =	vld [tilespmem:$0x1FB60];
	v1 =	vadd.f32 v45, v1;
	v48 =	vmul.f32 v9, v9;
	v5 =	vadd.f32 v40, v5  }
0x22e: {  	v28 =	vmul.f32 v10, v24;
	v0 =	vadd.f32 v14, v0;
	v2 =	vadd.f32 v51, v2  }
0x22f: {  	v15 =	vmul.f32 v15, v54;
	v1 =	vadd.f32 v52, v1;
	v5 =	vadd.f32 v48, v5  }
0x230: {  	v29 =	vld [tilespmem:$0x1FDC0];
	v14 =	vmul.f32 v16, v57;
	v7 =	vmul.f32 v7, v59;
	v2 =	vadd.f32 v58, v2  }
0x231: {  	v16 =	vmul.f32 v17, v25;
	v3 =	vadd.f32 v15, v3;
	v1 =	vmul.f32 v5, v1  }
0x232: {  	v0 =	vadd.f32 v14, v0;
	v14 =	vmul.f32 v4, v23;
	v2 =	vadd.f32 v26, v2  }
0x233: {  	v33 =	vld [tilespmem:$0x1FD60];
	v3 =	vadd.f32 v7, v3;
	v27 =	vshra.s32 v1, $0x1;
	v1 =	vmul.f32 $5.000000000e-01, v1  }
0x234: {  	v35 =	vld [tilespmem:$0x1FD40];
	v0 =	vadd.f32 v14, v0;
	v2 =	vmul.f32 v5, v2;
	v7 =	vsub.s32 $0x5F3759DF, v27  }
0x235: {  	v4 =	vmul.f32 v4, v29;
	v3 =	vadd.f32 v8, v3;
	v30 =	vmul.f32 v7, v1  }
0x236: {  	v0 =	vadd.f32 v16, v0;
	v31 =	vshra.s32 v2, $0x1;
	v2 =	vmul.f32 $5.000000000e-01, v2  }
0x237: {  	v3 =	vadd.f32 v4, v3;
	v32 =	vsub.s32 $0x5F3759DF, v31;
	v8 =	vmul.f32 v7, v30  }
0x238: {  	v0 =	vadd.f32 v28, v0;
	v5 =	vmul.f32 v18, v33;
	v14 =	vmul.f32 v32, v2  }
0x239: {  	v10 =	vmul.f32 v10, v35;
	v3 =	vadd.f32 v61, v3;
	v8 =	vsub.f32 $1.500000000e+00, v8  }
0x23a: {  	v36 =	vmul.f32 v6, v63;
	v0 =	vadd.f32 v5, v0;
	v14 =	vmul.f32 v32, v14  }
0x23b: {  	v37 =	vmul.f32 v18, v62;
	v3 =	vadd.f32 v10, v3;
	v7 =	vmul.f32 v7, v8  }
0x23c: {  	v38 =	vmul.f32 v19, v60;
	v0 =	vadd.f32 v36, v0;
	v39 =	vsub.f32 $1.500000000e+00, v14  }
0x23d: {  	v6 =	vmul.f32 v6, v55;
	v3 =	vadd.f32 v37, v3;
	v40 =	vmul.f32 v7, v1  }
0x23e: {  	v43 =	vmul.f32 v12, v53;
	v0 =	vadd.f32 v38, v0;
	v4 =	vmul.f32 v32, v39  }
0x23f: {  	v44 =	vmul.f32 v19, v49;
	v52 =	vld [tilespmem:$0x1FC40];
	v3 =	vadd.f32 v6, v3;
	v45 =	vmul.f32 v40, v7  }
0x240: {  	v47 =	vmul.f32 v20, v47;
	v0 =	vadd.f32 v43, v0;
	v48 =	vmul.f32 v4, v2  }
0x241: {  	v49 =	vmul.f32 v12, v41;
	v55 =	vld [tilespmem:$0x1FC10];
	v3 =	vadd.f32 v44, v3;
	v8 =	vsub.f32 $1.500000000e+00, v45  }
0x242: {  	v50 =	vmul.f32 v11, v34;
	v56 =	vld [tilespmem:$0x1FBF0];
	v0 =	vadd.f32 v47, v0;
	v10 =	vmul.f32 v48, v4  }
0x243: {  	v57 =	vld [tilespmem:$0x1FBD0];
	v51 =	vmul.f32 v20, v46;
	v3 =	vadd.f32 v49, v3;
	v7 =	vmul.f32 v8, v7  }
0x244: {  	v58 =	vld [tilespmem:$0x1FBB0];
	v5 =	vmul.f32 v21, v52;
	v0 =	vadd.f32 v50, v0;
	v53 =	vsub.f32 $1.500000000e+00, v10  }
0x245: {  	v59 =	vld [tilespmem:$0x1FB90];
	v54 =	vmul.f32 v11, v42;
	v3 =	vadd.f32 v51, v3;
	v1 =	vmul.f32 v7, v1  }
0x246: {  	v60 =	vld [tilespmem:$0x1FB70];
	v0 =	vadd.f32 v5, v0;
	v5 =	vmul.f32 v13, v55;
	v4 =	vmul.f32 v53, v4  }
0x247: {  	v6 =	vmul.f32 v21, v56;
	v3 =	vadd.f32 v54, v3;
	v1 =	vmul.f32 v1, v7  }
0x248: {  	v61 =	vld [tilespmem:$0x1FB50];
	v0 =	vadd.f32 v5, v0;
	v5 =	vmul.f32 v22, v57;
	v2 =	vmul.f32 v4, v2  }
0x249: {  	v3 =	vadd.f32 v6, v3;
	v6 =	vmul.f32 v13, v58;
	v1 =	vsub.f32 $1.500000000e+00, v1  }
0x24a: {  	v0 =	vadd.f32 v5, v0;
	v5 =	vmul.f32 v9, v59;
	v2 =	vmul.f32 v2, v4  }
0x24b: {  	v3 =	vadd.f32 v6, v3;
	v6 =	vmul.f32 v22, v60;
	v1 =	vmul.f32 v1, v7  }
0x24c: {  	v63 =	vld [tilespmem:$0x1FFE0];
	v0 =	vadd.f32 v5, v0;
	v2 =	vsub.f32 $1.500000000e+00, v2  }
0x24d: {  	v5 =	vmul.f32 v9, v61;
	v3 =	vadd.f32 v6, v3;
	v1 =	vmin.f32 v1, $1.000000000e+08  }
0x24e: {  	v2 =	vmul.f32 v2, v4;
	v0 =	vmul.f32 v1, v0  }
0x24f: {  	s21 =	sadd.s32 $0x1, s21;
	v62 =	vadd.f32 v5, v3  }
0x250: {  	p0 =	sne.s32 s21, $0x14;
	v2 =	vmin.f32 v2, $1.000000000e+08;
	v0 =	vmax.f32 v0, $0.0e+00  }
.Ltmp1:
0x251: {  	v1 =	vmul.f32 v2, v62;
	v0 =	vadd.f32 v0, v63;
	(pc) =	sbr.rel @p0 .LBB2_2-.Ltmp1, $3  }
0x252: {  	_ = 	snop  }
0x253: {  	v0 =	vsub.f32 v0, v1;
	_ =	sdelay $0x1  }
0x254: {  	[tilespmem:$0x1FFE0] =	vst v0  }
0x255: {  	v0 =	vld [tilespmem:$0x1FFE0];
	_ =	sdelay $0x2  }
0x256: {  	s20 =	sadd.s32 $0x1, s20  }
0x257: {  	p0 =	sne.s32 s20, s10  }
.Ltmp2:
0x258: {  	[tilespmem:$0x3180] =	vst v0;
	(pc) =	sbr.rel @p0 .LBB2_1-.Ltmp2, $4  }
0x259: {  	[hbm4b:s9+s3] =	stream.linear.scatter [tilespmem:s19], [sflag:$0x3], $0x10, $0x38;
	[tilespmem:$0x3190] =	vst v63  }
0x25a: {  	_ =	swait.ge [sflag:s11], $0x10  }
0x25b: {  	[sflag:s11] =	ssyncset.done $0x0  }
0x25c: {  	[sflag:s11] =	ssyncadd.s32 $0xFFFFFFF0  }
0x25d: {  	_ =	sfence.sel $0x180000  }
0x25e: {  	[bflag:$0x0] =	sbarrier.arrive $0xFFFF  }
0x25f: {  	p0 =	sne.s32 s2, $0x0;
	_ =	strace $0x90000047  }
0x260: {  	s0 =	sadd.s32 @!p0 $0x100000, s0;
	[bflag:$0x2] =	sbarrier.arrive $0xFFFF  }
0x261: {  	[sflag:s0] =	ssyncadd.tile.s32 @!p0 $0x1;
	_ =	shalt  }
.Lfunc_end2:
_tile_overlayer_lowered:
.L_overlay_start_2:
0x262: {  	(tag) =	ssettag $0x2  }
0x263: {  	s0 =	rddreg [dreg:$0x0];
	s2 =	stileid.u32  }
0x264: {  	s1 =	rddreg [dreg:$0x1];
	p0 =	sne.s32 s2, $0x0  }
0x265: {  	s3 =	rddreg [dreg:$0x2];
	[bflag:$0x3] =	sbarrier.arrive $0xFFFF;
	s2 =	simm.s32 @!p0 $0x1C03  }
0x266: {  	[timem:s3], [sflag:s2] =	dma.local @!p0 [hbm:s0], s1  }
0x267: {  	s0 =	simm.s32 @!p0 $0x3  }
0x268: {  	_ =	swait.ge @!p0 [sflag:s0], s1  }
0x269: {  	s1 =	ssub.s32 @!p0 $0x0, s1;
	[sflag:s0] =	ssyncset.done @!p0 $0x0  }
0x26a: {  	[sflag:s0] =	ssyncadd.s32 @!p0 s1  }
0x26b: {  	[bflag:$0x3] =	sbarrier.arrive $0xFFFF  }
0x26c: {  	_ =	shalt  }

</sc_bundles>
